<compile_context>
chip_gen: v7x
topology: tpu7x:2x2x1
jax: 0.10.2.dev20260603
libtpu: 0.0.44.dev20260713+nightly
codegen_flags: <defaults>
</compile_context>

<pallas_src>
import functools

import jax
import jax.numpy as jnp
from jax import lax
from jax.experimental import pallas as pl
from jax.experimental.pallas import tpu as pltpu
from jax.experimental.pallas import tpu_sc as plsc

NS = 16
BLK = 128
G = 2


def _sc_body(n_acc, ng, xflat, idxb, idxa, zeros, dummy,
             out, acc1, acc2, iv0, iv1, rv0, rv1,
             gsem0, gsem1, ssem0, ssem1):
  c = lax.axis_index("c")
  s = lax.axis_index("s")
  stripe = n_acc // NS
  t_pairs = ng // 2

  def wait(sem):
    pltpu.make_async_copy(dummy, rv0, sem).wait()

  def do_pass(idx_at, src, acc, dst_hbm, zero_accs):
    base = s * ng

    def load(gidx, iv):
      pltpu.sync_copy(idx_at(gidx), iv)

    def gather(iv, rv, sem):
      for g in range(G):
        pltpu.async_copy(src.at[iv.at[0, g]], rv.at[g], sem)

    def scatter(rv, iv, sem):
      for g in range(G):
        pltpu.async_copy(rv.at[g], acc.at[iv.at[1, g]], sem, add=True)

    load(base, iv0)
    gather(iv0, rv0, gsem0)
    load(base + 1, iv1)
    gather(iv1, rv1, gsem1)
    for z in zero_accs:
      pltpu.sync_copy(zeros, z.at[pl.ds(s * stripe, stripe)])
    if zero_accs:
      plsc.subcore_barrier()
    wait(gsem0)
    scatter(rv0, iv0, ssem0)
    wait(ssem0)
    load(base + 2, iv0)
    gather(iv0, rv0, gsem0)
    wait(gsem1)
    scatter(rv1, iv1, ssem1)

    def body(t, carry):
      g = base + 2 * t
      wait(ssem1)
      load(g + 1, iv1)
      gather(iv1, rv1, gsem1)
      wait(gsem0)
      scatter(rv0, iv0, ssem0)
      wait(ssem0)

      @pl.when(t < t_pairs - 1)
      def _():
        load(g + 2, iv0)
        gather(iv0, rv0, gsem0)

      wait(gsem1)
      scatter(rv1, iv1, ssem1)
      return carry

    lax.fori_loop(1, t_pairs, body, 0, unroll=False)
    wait(ssem1)
    plsc.subcore_barrier()
    if dst_hbm is not None:
      pltpu.sync_copy(acc.at[pl.ds(s * stripe, stripe)],
                      dst_hbm.at[pl.ds(c * n_acc + s * stripe, stripe)])

  do_pass(lambda g: idxb.at[c, g], xflat, acc1, None, (acc1, acc2))
  do_pass(lambda g: idxa.at[g], acc1, acc2, out, ())


def kernel(x, edge_index_a, edge_index_b):
  n, d = x.shape
  half = d // 2
  e = edge_index_a.shape[1]

  blocks = -(-e // BLK)
  ng = -(-blocks // (NS * G))
  ng = ng + (ng % 2)
  e_pad = NS * ng * G * BLK
  pad = e_pad - e

  n_acc = -(-n // (8 * NS)) * 8 * NS

  padrows = jnp.zeros((n_acc - n, half), jnp.float32)
  xflat = jnp.concatenate(
      [x[:, :half], padrows, x[:, half:], padrows], axis=0)

  def prep(cols, rows, col_fill, bias):
    cp = jnp.concatenate([cols, jnp.full((pad,), col_fill, jnp.int32)])
    rp = jnp.concatenate([rows, jnp.full((pad,), n, jnp.int32)])
    cp = cp.reshape(NS * ng, G, BLK)
    rp = rp.reshape(NS * ng, G, BLK)
    if bias:
      return jnp.stack([jnp.stack([cp, rp], axis=1),
                        jnp.stack([cp + n_acc, rp], axis=1)])
    return jnp.stack([cp, rp], axis=1)

  idxb = prep(edge_index_b[1], edge_index_b[0], 0, True)
  idxa = prep(edge_index_a[1], edge_index_a[0], 0, False)

  zeros = jnp.zeros((n_acc // NS, half), jnp.float32)
  dummy = jnp.zeros((G, BLK, half), jnp.float32)

  mesh = plsc.VectorSubcoreMesh(core_axis_name="c", subcore_axis_name="s")
  fn = pl.kernel(
      functools.partial(_sc_body, n_acc, ng),
      out_type=jax.ShapeDtypeStruct((2 * n_acc, half), jnp.float32),
      mesh=mesh,
      scratch_types=[
          pltpu.VMEM_SHARED((n_acc, half), jnp.float32),
          pltpu.VMEM_SHARED((n_acc, half), jnp.float32),
          pltpu.VMEM((2, G, BLK), jnp.int32),
          pltpu.VMEM((2, G, BLK), jnp.int32),
          pltpu.VMEM((G, BLK, half), jnp.float32),
          pltpu.VMEM((G, BLK, half), jnp.float32),
          pltpu.SemaphoreType.DMA,
          pltpu.SemaphoreType.DMA,
          pltpu.SemaphoreType.DMA,
          pltpu.SemaphoreType.DMA,
      ],
      compiler_params=pltpu.CompilerParams(use_tc_tiling_on_sc=False),
  )
  outflat = fn(xflat, idxb, idxa, zeros, dummy)
  return jnp.concatenate([outflat[:n], outflat[n_acc:n_acc + n]], axis=1)

# --- scband reference (transcript-rebuilt; emitter-appended) ---
"""Pipeline reference for scband-k-hop-augmentation-23888608100654 (READ-ONLY COPY).

The authoritative reference and input builder live on the scoring server;
editing this copy changes nothing except your own understanding.
"""

import jax, jax.numpy as jnp
import numpy as np

N_NODES = 10000
N_EDGES = 320000
D_FEAT = 128


def setup_inputs(seed: int = 0) -> dict:
    key = jax.random.key(seed)
    k1, k2, k3 = jax.random.split(key, 3)
    x = jax.random.normal(k1, (N_NODES, D_FEAT), dtype=jnp.float32)
    # two relation edge lists (hop-1 adjacency A, hop-2 adjacency B); row 0 = dst/row index, row 1 = src/col index
    edge_index_a = jax.random.randint(k2, (2, N_EDGES), 0, N_NODES, dtype=jnp.int32)
    edge_index_b = jax.random.randint(k3, (2, N_EDGES), 0, N_NODES, dtype=jnp.int32)
    return {"x": x, "edge_index_a": edge_index_a, "edge_index_b": edge_index_b}


def reference(x, edge_index_a, edge_index_b):
    # Faithful functionalization of kHopAugmentation's core op: spspmm(A, ones, B, ones)
    # composes a 2-hop adjacency C = A @ B (all-ones edge values). Since dynamic-nnz
    # sparse output is not expressible, we apply the composed operator to node
    # features: out = A @ (B @ x), realized with SparseCore-friendly gather + segment_sum.
    N = x.shape[0]
    row_b = edge_index_b[0]
    col_b = edge_index_b[1]
    # (B @ x)_i = sum over edges (i, j) of x_j
    h1 = jax.ops.segment_sum(jnp.take(x, col_b, axis=0), row_b, num_segments=N)
    row_a = edge_index_a[0]
    col_a = edge_index_a[1]
    # (A @ h1)_i = sum over edges (i, j) of h1_j  -> equals (A @ B) @ x
    h2 = jax.ops.segment_sum(jnp.take(h1, col_a, axis=0), row_a, num_segments=N)
    return h2

if __name__ == "__main__":
    import jax
    _d = setup_inputs()
    print(jax.jit(kernel)(*tuple(_d.values())))

</pallas_src>

<mosaic_0001>
#map = affine_map<(d0, d1) -> (0, 0)>
#map1 = affine_map<(d0, d1) -> (0, 0, 0, 0, 0)>
#map2 = affine_map<(d0, d1) -> (0, 0, 0, 0)>
#map3 = affine_map<(d0, d1) -> (0, 0, 0)>
module attributes {stable_mosaic.version = 14 : i64} {
  func.func @_sc_body(%arg0: i32, %arg1: i32, %arg2: memref<20224x64xf32, #tpu.memory_space<hbm>>, %arg3: memref<2x1280x2x2x128xi32, #tpu.memory_space<hbm>>, %arg4: memref<1280x2x2x128xi32, #tpu.memory_space<hbm>>, %arg5: memref<632x64xf32, #tpu.memory_space<hbm>>, %arg6: memref<2x128x64xf32, #tpu.memory_space<hbm>>, %arg7: memref<20224x64xf32, #tpu.memory_space<hbm>>, %arg8: memref<10112x64xf32, #tpu.memory_space<vmem_shared>>, %arg9: memref<10112x64xf32, #tpu.memory_space<vmem_shared>>, %arg10: memref<2x2x128xi32, #tpu.memory_space<vmem>>, %arg11: memref<2x2x128xi32, #tpu.memory_space<vmem>>, %arg12: memref<2x128x64xf32, #tpu.memory_space<vmem>>, %arg13: memref<2x128x64xf32, #tpu.memory_space<vmem>>, %arg14: memref<!tpu.dma_semaphore, #tpu.memory_space<semaphore_mem>>, %arg15: memref<!tpu.dma_semaphore, #tpu.memory_space<semaphore_mem>>, %arg16: memref<!tpu.dma_semaphore, #tpu.memory_space<semaphore_mem>>, %arg17: memref<!tpu.dma_semaphore, #tpu.memory_space<semaphore_mem>>) attributes {dimension_semantics = [#tpu.dimension_semantics<core_parallel>, #tpu.dimension_semantics<subcore_parallel>], iteration_bounds = array<i64: 2, 16>, scalar_prefetch = 0 : i64, scratch_operands = 10 : i64, tpu.core_type = #tpu.core_type<sc_vector_subcore>, window_params = [{transform_indices = #map}, {transform_indices = #map1}, {transform_indices = #map2}, {transform_indices = #map}, {transform_indices = #map3}, {transform_indices = #map}]} {
    %mul3A = arith.constant 80 : i32
    %mul3A_0 = arith.muli %arg1, %mul3A : i32
    "tpu.region"() ({
      %run_scoped3A = tpu.sem_alloc : memref<!tpu.dma_semaphore, #tpu.memory_space<semaphore_mem>>
      %dma_start3A_293 = arith.constant 0 : i32
      %dma_start3A_294 = arith.constant 0 : i32
      %dma_start3A_295 = arith.constant 0 : i32
      %dma_start3A_296 = tpu.memref_slice %arg3[%arg0, %mul3A_0, %dma_start3A_293, %dma_start3A_294, %dma_start3A_295] : memref<2x1280x2x2x128xi32, #tpu.memory_space<hbm>> -> memref<1x1x2x2x128xi32, #tpu.memory_space<hbm>>
      %dma_start3A_297 = tpu.memref_squeeze %dma_start3A_296 : memref<1x1x2x2x128xi32, #tpu.memory_space<hbm>> -> memref<2x2x128xi32, #tpu.memory_space<hbm>>
      %dma_start3A_298 = arith.constant 0 : i32
      %dma_start3A_299 = arith.constant 0 : i32
      %dma_start3A_300 = arith.constant 0 : i32
      %dma_start3A_301 = tpu.memref_slice %arg3[%arg0, %mul3A_0, %dma_start3A_298, %dma_start3A_299, %dma_start3A_300] : memref<2x1280x2x2x128xi32, #tpu.memory_space<hbm>> -> memref<1x1x2x2x128xi32, #tpu.memory_space<hbm>>
      %dma_start3A_302 = tpu.memref_squeeze %dma_start3A_301 : memref<1x1x2x2x128xi32, #tpu.memory_space<hbm>> -> memref<2x2x128xi32, #tpu.memory_space<hbm>>
      tpu.enqueue_dma source(%dma_start3A_302 : memref<2x2x128xi32, #tpu.memory_space<hbm>>) target(%arg10 : memref<2x2x128xi32, #tpu.memory_space<vmem>>) target_semaphore(%run_scoped3A : memref<!tpu.dma_semaphore, #tpu.memory_space<semaphore_mem>>)
      %dma_wait3A = arith.constant 0 : i32
      %dma_wait3A_303 = arith.constant 0 : i32
      %dma_wait3A_304 = arith.constant 0 : i32
      %dma_wait3A_305 = tpu.memref_slice %arg3[%arg0, %mul3A_0, %dma_wait3A, %dma_wait3A_303, %dma_wait3A_304] : memref<2x1280x2x2x128xi32, #tpu.memory_space<hbm>> -> memref<1x1x2x2x128xi32, #tpu.memory_space<hbm>>
      %dma_wait3A_306 = tpu.memref_squeeze %dma_wait3A_305 : memref<1x1x2x2x128xi32, #tpu.memory_space<hbm>> -> memref<2x2x128xi32, #tpu.memory_space<hbm>>
      %dma_wait3A_307 = arith.constant 0 : i32
      %dma_wait3A_308 = arith.constant 0 : i32
      %dma_wait3A_309 = arith.constant 0 : i32
      %dma_wait3A_310 = tpu.memref_slice %arg3[%arg0, %mul3A_0, %dma_wait3A_307, %dma_wait3A_308, %dma_wait3A_309] : memref<2x1280x2x2x128xi32, #tpu.memory_space<hbm>> -> memref<1x1x2x2x128xi32, #tpu.memory_space<hbm>>
      %dma_wait3A_311 = tpu.memref_squeeze %dma_wait3A_310 : memref<1x1x2x2x128xi32, #tpu.memory_space<hbm>> -> memref<2x2x128xi32, #tpu.memory_space<hbm>>
      tpu.wait_dma2 semaphore(%run_scoped3A : memref<!tpu.dma_semaphore, #tpu.memory_space<semaphore_mem>>) src(%dma_wait3A_311 : memref<2x2x128xi32, #tpu.memory_space<hbm>>) dst(%arg10 : memref<2x2x128xi32, #tpu.memory_space<vmem>>)
      tpu.yield
    }) : () -> ()
    %dma_start3A = arith.constant 0 : i32
    %dma_start3A_1 = arith.constant 0 : i32
    %dma_start3A_2 = arith.constant 0 : i32
    %dma_start3A_3 = arith.constant 0 : i32
    %dma_start3A_4 = arith.constant 0 : i32
    %dma_start3A_5 = tpu.memref_slice %arg12[%dma_start3A_2, %dma_start3A_3, %dma_start3A_4] : memref<2x128x64xf32, #tpu.memory_space<vmem>> -> memref<1x128x64xf32, #tpu.memory_space<vmem>>
    %dma_start3A_6 = tpu.memref_squeeze %dma_start3A_5 : memref<1x128x64xf32, #tpu.memory_space<vmem>> -> memref<128x64xf32, #tpu.memory_space<vmem>>
    %dma_start3A_7 = arith.constant 0 : i32
    %dma_start3A_8 = tpu.memref_slice %arg10[%dma_start3A, %dma_start3A_1, %dma_start3A_7] : memref<2x2x128xi32, #tpu.memory_space<vmem>> -> memref<1x1x128xi32, #tpu.memory_space<vmem>>
    %dma_start3A_9 = tpu.memref_squeeze %dma_start3A_8 : memref<1x1x128xi32, #tpu.memory_space<vmem>> -> memref<128xi32, #tpu.memory_space<vmem>>
    %dma_start3A_10 = arith.constant 0 : i32
    %dma_start3A_11 = arith.constant 0 : i32
    %dma_start3A_12 = tpu.memref_slice %arg2[%dma_start3A_10, %dma_start3A_11] : memref<20224x64xf32, #tpu.memory_space<hbm>> -> memref<20224x64xf32, #tpu.memory_space<hbm>>
    tpu.enqueue_indirect_dma source(%dma_start3A_12 : memref<20224x64xf32, #tpu.memory_space<hbm>>) target(%dma_start3A_6 : memref<128x64xf32, #tpu.memory_space<vmem>>) offsets(%dma_start3A_9 : memref<128xi32, #tpu.memory_space<vmem>>) semaphore(%arg14 : memref<!tpu.dma_semaphore, #tpu.memory_space<semaphore_mem>>)
    %dma_start3A_13 = arith.constant 0 : i32
    %dma_start3A_14 = arith.constant 1 : i32
    %dma_start3A_15 = arith.constant 1 : i32
    %dma_start3A_16 = arith.constant 0 : i32
    %dma_start3A_17 = arith.constant 0 : i32
    %dma_start3A_18 = tpu.memref_slice %arg12[%dma_start3A_15, %dma_start3A_16, %dma_start3A_17] : memref<2x128x64xf32, #tpu.memory_space<vmem>> -> memref<1x128x64xf32, #tpu.memory_space<vmem>>
    %dma_start3A_19 = tpu.memref_squeeze %dma_start3A_18 : memref<1x128x64xf32, #tpu.memory_space<vmem>> -> memref<128x64xf32, #tpu.memory_space<vmem>>
    %dma_start3A_20 = arith.constant 0 : i32
    %dma_start3A_21 = tpu.memref_slice %arg10[%dma_start3A_13, %dma_start3A_14, %dma_start3A_20] : memref<2x2x128xi32, #tpu.memory_space<vmem>> -> memref<1x1x128xi32, #tpu.memory_space<vmem>>
    %dma_start3A_22 = tpu.memref_squeeze %dma_start3A_21 : memref<1x1x128xi32, #tpu.memory_space<vmem>> -> memref<128xi32, #tpu.memory_space<vmem>>
    %dma_start3A_23 = arith.constant 0 : i32
    %dma_start3A_24 = arith.constant 0 : i32
    %dma_start3A_25 = tpu.memref_slice %arg2[%dma_start3A_23, %dma_start3A_24] : memref<20224x64xf32, #tpu.memory_space<hbm>> -> memref<20224x64xf32, #tpu.memory_space<hbm>>
    tpu.enqueue_indirect_dma source(%dma_start3A_25 : memref<20224x64xf32, #tpu.memory_space<hbm>>) target(%dma_start3A_19 : memref<128x64xf32, #tpu.memory_space<vmem>>) offsets(%dma_start3A_22 : memref<128xi32, #tpu.memory_space<vmem>>) semaphore(%arg14 : memref<!tpu.dma_semaphore, #tpu.memory_space<semaphore_mem>>)
    %add3A = arith.constant 1 : i32
    %add3A_26 = arith.addi %mul3A_0, %add3A : i32
    "tpu.region"() ({
      %run_scoped3A = tpu.sem_alloc : memref<!tpu.dma_semaphore, #tpu.memory_space<semaphore_mem>>
      %dma_start3A_293 = arith.constant 0 : i32
      %dma_start3A_294 = arith.constant 0 : i32
      %dma_start3A_295 = arith.constant 0 : i32
      %dma_start3A_296 = tpu.memref_slice %arg3[%arg0, %add3A_26, %dma_start3A_293, %dma_start3A_294, %dma_start3A_295] : memref<2x1280x2x2x128xi32, #tpu.memory_space<hbm>> -> memref<1x1x2x2x128xi32, #tpu.memory_space<hbm>>
      %dma_start3A_297 = tpu.memref_squeeze %dma_start3A_296 : memref<1x1x2x2x128xi32, #tpu.memory_space<hbm>> -> memref<2x2x128xi32, #tpu.memory_space<hbm>>
      %dma_start3A_298 = arith.constant 0 : i32
      %dma_start3A_299 = arith.constant 0 : i32
      %dma_start3A_300 = arith.constant 0 : i32
      %dma_start3A_301 = tpu.memref_slice %arg3[%arg0, %add3A_26, %dma_start3A_298, %dma_start3A_299, %dma_start3A_300] : memref<2x1280x2x2x128xi32, #tpu.memory_space<hbm>> -> memref<1x1x2x2x128xi32, #tpu.memory_space<hbm>>
      %dma_start3A_302 = tpu.memref_squeeze %dma_start3A_301 : memref<1x1x2x2x128xi32, #tpu.memory_space<hbm>> -> memref<2x2x128xi32, #tpu.memory_space<hbm>>
      tpu.enqueue_dma source(%dma_start3A_302 : memref<2x2x128xi32, #tpu.memory_space<hbm>>) target(%arg11 : memref<2x2x128xi32, #tpu.memory_space<vmem>>) target_semaphore(%run_scoped3A : memref<!tpu.dma_semaphore, #tpu.memory_space<semaphore_mem>>)
      %dma_wait3A = arith.constant 0 : i32
      %dma_wait3A_303 = arith.constant 0 : i32
      %dma_wait3A_304 = arith.constant 0 : i32
      %dma_wait3A_305 = tpu.memref_slice %arg3[%arg0, %add3A_26, %dma_wait3A, %dma_wait3A_303, %dma_wait3A_304] : memref<2x1280x2x2x128xi32, #tpu.memory_space<hbm>> -> memref<1x1x2x2x128xi32, #tpu.memory_space<hbm>>
      %dma_wait3A_306 = tpu.memref_squeeze %dma_wait3A_305 : memref<1x1x2x2x128xi32, #tpu.memory_space<hbm>> -> memref<2x2x128xi32, #tpu.memory_space<hbm>>
      %dma_wait3A_307 = arith.constant 0 : i32
      %dma_wait3A_308 = arith.constant 0 : i32
      %dma_wait3A_309 = arith.constant 0 : i32
      %dma_wait3A_310 = tpu.memref_slice %arg3[%arg0, %add3A_26, %dma_wait3A_307, %dma_wait3A_308, %dma_wait3A_309] : memref<2x1280x2x2x128xi32, #tpu.memory_space<hbm>> -> memref<1x1x2x2x128xi32, #tpu.memory_space<hbm>>
      %dma_wait3A_311 = tpu.memref_squeeze %dma_wait3A_310 : memref<1x1x2x2x128xi32, #tpu.memory_space<hbm>> -> memref<2x2x128xi32, #tpu.memory_space<hbm>>
      tpu.wait_dma2 semaphore(%run_scoped3A : memref<!tpu.dma_semaphore, #tpu.memory_space<semaphore_mem>>) src(%dma_wait3A_311 : memref<2x2x128xi32, #tpu.memory_space<hbm>>) dst(%arg11 : memref<2x2x128xi32, #tpu.memory_space<vmem>>)
      tpu.yield
    }) : () -> ()
    %dma_start3A_27 = arith.constant 0 : i32
    %dma_start3A_28 = arith.constant 0 : i32
    %dma_start3A_29 = arith.constant 0 : i32
    %dma_start3A_30 = arith.constant 0 : i32
    %dma_start3A_31 = arith.constant 0 : i32
    %dma_start3A_32 = tpu.memref_slice %arg13[%dma_start3A_29, %dma_start3A_30, %dma_start3A_31] : memref<2x128x64xf32, #tpu.memory_space<vmem>> -> memref<1x128x64xf32, #tpu.memory_space<vmem>>
    %dma_start3A_33 = tpu.memref_squeeze %dma_start3A_32 : memref<1x128x64xf32, #tpu.memory_space<vmem>> -> memref<128x64xf32, #tpu.memory_space<vmem>>
    %dma_start3A_34 = arith.constant 0 : i32
    %dma_start3A_35 = tpu.memref_slice %arg11[%dma_start3A_27, %dma_start3A_28, %dma_start3A_34] : memref<2x2x128xi32, #tpu.memory_space<vmem>> -> memref<1x1x128xi32, #tpu.memory_space<vmem>>
    %dma_start3A_36 = tpu.memref_squeeze %dma_start3A_35 : memref<1x1x128xi32, #tpu.memory_space<vmem>> -> memref<128xi32, #tpu.memory_space<vmem>>
    %dma_start3A_37 = arith.constant 0 : i32
    %dma_start3A_38 = arith.constant 0 : i32
    %dma_start3A_39 = tpu.memref_slice %arg2[%dma_start3A_37, %dma_start3A_38] : memref<20224x64xf32, #tpu.memory_space<hbm>> -> memref<20224x64xf32, #tpu.memory_space<hbm>>
    tpu.enqueue_indirect_dma source(%dma_start3A_39 : memref<20224x64xf32, #tpu.memory_space<hbm>>) target(%dma_start3A_33 : memref<128x64xf32, #tpu.memory_space<vmem>>) offsets(%dma_start3A_36 : memref<128xi32, #tpu.memory_space<vmem>>) semaphore(%arg15 : memref<!tpu.dma_semaphore, #tpu.memory_space<semaphore_mem>>)
    %dma_start3A_40 = arith.constant 0 : i32
    %dma_start3A_41 = arith.constant 1 : i32
    %dma_start3A_42 = arith.constant 1 : i32
    %dma_start3A_43 = arith.constant 0 : i32
    %dma_start3A_44 = arith.constant 0 : i32
    %dma_start3A_45 = tpu.memref_slice %arg13[%dma_start3A_42, %dma_start3A_43, %dma_start3A_44] : memref<2x128x64xf32, #tpu.memory_space<vmem>> -> memref<1x128x64xf32, #tpu.memory_space<vmem>>
    %dma_start3A_46 = tpu.memref_squeeze %dma_start3A_45 : memref<1x128x64xf32, #tpu.memory_space<vmem>> -> memref<128x64xf32, #tpu.memory_space<vmem>>
    %dma_start3A_47 = arith.constant 0 : i32
    %dma_start3A_48 = tpu.memref_slice %arg11[%dma_start3A_40, %dma_start3A_41, %dma_start3A_47] : memref<2x2x128xi32, #tpu.memory_space<vmem>> -> memref<1x1x128xi32, #tpu.memory_space<vmem>>
    %dma_start3A_49 = tpu.memref_squeeze %dma_start3A_48 : memref<1x1x128xi32, #tpu.memory_space<vmem>> -> memref<128xi32, #tpu.memory_space<vmem>>
    %dma_start3A_50 = arith.constant 0 : i32
    %dma_start3A_51 = arith.constant 0 : i32
    %dma_start3A_52 = tpu.memref_slice %arg2[%dma_start3A_50, %dma_start3A_51] : memref<20224x64xf32, #tpu.memory_space<hbm>> -> memref<20224x64xf32, #tpu.memory_space<hbm>>
    tpu.enqueue_indirect_dma source(%dma_start3A_52 : memref<20224x64xf32, #tpu.memory_space<hbm>>) target(%dma_start3A_46 : memref<128x64xf32, #tpu.memory_space<vmem>>) offsets(%dma_start3A_49 : memref<128xi32, #tpu.memory_space<vmem>>) semaphore(%arg15 : memref<!tpu.dma_semaphore, #tpu.memory_space<semaphore_mem>>)
    %mul3A_53 = arith.constant 632 : i32
    %mul3A_54 = arith.muli %arg1, %mul3A_53 : i32
    "tpu.region"() ({
      %run_scoped3A = tpu.sem_alloc : memref<!tpu.dma_semaphore, #tpu.memory_space<semaphore_mem>>
      %dma_start3A_293 = arith.constant 0 : i32
      %dma_start3A_294 = tpu.memref_slice %arg8[%mul3A_54, %dma_start3A_293] : memref<10112x64xf32, #tpu.memory_space<vmem_shared>> -> memref<632x64xf32, #tpu.memory_space<vmem_shared>>
      tpu.enqueue_dma source(%arg5 : memref<632x64xf32, #tpu.memory_space<hbm>>) target(%dma_start3A_294 : memref<632x64xf32, #tpu.memory_space<vmem_shared>>) target_semaphore(%run_scoped3A : memref<!tpu.dma_semaphore, #tpu.memory_space<semaphore_mem>>)
      %dma_wait3A = arith.constant 0 : i32
      %dma_wait3A_295 = tpu.memref_slice %arg8[%mul3A_54, %dma_wait3A] : memref<10112x64xf32, #tpu.memory_space<vmem_shared>> -> memref<632x64xf32, #tpu.memory_space<vmem_shared>>
      tpu.wait_dma2 semaphore(%run_scoped3A : memref<!tpu.dma_semaphore, #tpu.memory_space<semaphore_mem>>) src(%arg5 : memref<632x64xf32, #tpu.memory_space<hbm>>) dst(%dma_wait3A_295 : memref<632x64xf32, #tpu.memory_space<vmem_shared>>)
      tpu.yield
    }) : () -> ()
    %mul3A_55 = arith.constant 632 : i32
    %mul3A_56 = arith.muli %arg1, %mul3A_55 : i32
    "tpu.region"() ({
      %run_scoped3A = tpu.sem_alloc : memref<!tpu.dma_semaphore, #tpu.memory_space<semaphore_mem>>
      %dma_start3A_293 = arith.constant 0 : i32
      %dma_start3A_294 = tpu.memref_slice %arg9[%mul3A_56, %dma_start3A_293] : memref<10112x64xf32, #tpu.memory_space<vmem_shared>> -> memref<632x64xf32, #tpu.memory_space<vmem_shared>>
      tpu.enqueue_dma source(%arg5 : memref<632x64xf32, #tpu.memory_space<hbm>>) target(%dma_start3A_294 : memref<632x64xf32, #tpu.memory_space<vmem_shared>>) target_semaphore(%run_scoped3A : memref<!tpu.dma_semaphore, #tpu.memory_space<semaphore_mem>>)
      %dma_wait3A = arith.constant 0 : i32
      %dma_wait3A_295 = tpu.memref_slice %arg9[%mul3A_56, %dma_wait3A] : memref<10112x64xf32, #tpu.memory_space<vmem_shared>> -> memref<632x64xf32, #tpu.memory_space<vmem_shared>>
      tpu.wait_dma2 semaphore(%run_scoped3A : memref<!tpu.dma_semaphore, #tpu.memory_space<semaphore_mem>>) src(%arg5 : memref<632x64xf32, #tpu.memory_space<hbm>>) dst(%dma_wait3A_295 : memref<632x64xf32, #tpu.memory_space<vmem_shared>>)
      tpu.yield
    }) : () -> ()
    %barrier3A = arith.constant 0 : index
    tpu.barrier barrier_id(%barrier3A)
    tpu.wait_dma2 semaphore(%arg14 : memref<!tpu.dma_semaphore, #tpu.memory_space<semaphore_mem>>) src(%arg6 : memref<2x128x64xf32, #tpu.memory_space<hbm>>) dst(%arg12 : memref<2x128x64xf32, #tpu.memory_space<vmem>>)
    %dma_start3A_57 = arith.constant 0 : i32
    %dma_start3A_58 = arith.constant 1 : i32
    %dma_start3A_59 = arith.constant 0 : i32
    %dma_start3A_60 = arith.constant 0 : i32
    %dma_start3A_61 = arith.constant 0 : i32
    %dma_start3A_62 = tpu.memref_slice %arg12[%dma_start3A_57, %dma_start3A_60, %dma_start3A_61] : memref<2x128x64xf32, #tpu.memory_space<vmem>> -> memref<1x128x64xf32, #tpu.memory_space<vmem>>
    %dma_start3A_63 = tpu.memref_squeeze %dma_start3A_62 : memref<1x128x64xf32, #tpu.memory_space<vmem>> -> memref<128x64xf32, #tpu.memory_space<vmem>>
    %dma_start3A_64 = arith.constant 0 : i32
    %dma_start3A_65 = tpu.memref_slice %arg10[%dma_start3A_58, %dma_start3A_59, %dma_start3A_64] : memref<2x2x128xi32, #tpu.memory_space<vmem>> -> memref<1x1x128xi32, #tpu.memory_space<vmem>>
    %dma_start3A_66 = tpu.memref_squeeze %dma_start3A_65 : memref<1x1x128xi32, #tpu.memory_space<vmem>> -> memref<128xi32, #tpu.memory_space<vmem>>
    %dma_start3A_67 = arith.constant 0 : i32
    %dma_start3A_68 = arith.constant 0 : i32
    %dma_start3A_69 = tpu.memref_slice %arg8[%dma_start3A_67, %dma_start3A_68] : memref<10112x64xf32, #tpu.memory_space<vmem_shared>> -> memref<10112x64xf32, #tpu.memory_space<vmem_shared>>
    tpu.enqueue_indirect_dma source(%dma_start3A_63 : memref<128x64xf32, #tpu.memory_space<vmem>>) target(%dma_start3A_69 : memref<10112x64xf32, #tpu.memory_space<vmem_shared>>) offsets(%dma_start3A_66 : memref<128xi32, #tpu.memory_space<vmem>>) semaphore(%arg16 : memref<!tpu.dma_semaphore, #tpu.memory_space<semaphore_mem>>) {add = true}
    %dma_start3A_70 = arith.constant 1 : i32
    %dma_start3A_71 = arith.constant 1 : i32
    %dma_start3A_72 = arith.constant 1 : i32
    %dma_start3A_73 = arith.constant 0 : i32
    %dma_start3A_74 = arith.constant 0 : i32
    %dma_start3A_75 = tpu.memref_slice %arg12[%dma_start3A_70, %dma_start3A_73, %dma_start3A_74] : memref<2x128x64xf32, #tpu.memory_space<vmem>> -> memref<1x128x64xf32, #tpu.memory_space<vmem>>
    %dma_start3A_76 = tpu.memref_squeeze %dma_start3A_75 : memref<1x128x64xf32, #tpu.memory_space<vmem>> -> memref<128x64xf32, #tpu.memory_space<vmem>>
    %dma_start3A_77 = arith.constant 0 : i32
    %dma_start3A_78 = tpu.memref_slice %arg10[%dma_start3A_71, %dma_start3A_72, %dma_start3A_77] : memref<2x2x128xi32, #tpu.memory_space<vmem>> -> memref<1x1x128xi32, #tpu.memory_space<vmem>>
    %dma_start3A_79 = tpu.memref_squeeze %dma_start3A_78 : memref<1x1x128xi32, #tpu.memory_space<vmem>> -> memref<128xi32, #tpu.memory_space<vmem>>
    %dma_start3A_80 = arith.constant 0 : i32
    %dma_start3A_81 = arith.constant 0 : i32
    %dma_start3A_82 = tpu.memref_slice %arg8[%dma_start3A_80, %dma_start3A_81] : memref<10112x64xf32, #tpu.memory_space<vmem_shared>> -> memref<10112x64xf32, #tpu.memory_space<vmem_shared>>
    tpu.enqueue_indirect_dma source(%dma_start3A_76 : memref<128x64xf32, #tpu.memory_space<vmem>>) target(%dma_start3A_82 : memref<10112x64xf32, #tpu.memory_space<vmem_shared>>) offsets(%dma_start3A_79 : memref<128xi32, #tpu.memory_space<vmem>>) semaphore(%arg16 : memref<!tpu.dma_semaphore, #tpu.memory_space<semaphore_mem>>) {add = true}
    tpu.wait_dma2 semaphore(%arg16 : memref<!tpu.dma_semaphore, #tpu.memory_space<semaphore_mem>>) src(%arg6 : memref<2x128x64xf32, #tpu.memory_space<hbm>>) dst(%arg12 : memref<2x128x64xf32, #tpu.memory_space<vmem>>)
    %add3A_83 = arith.constant 2 : i32
    %add3A_84 = arith.addi %mul3A_0, %add3A_83 : i32
    "tpu.region"() ({
      %run_scoped3A = tpu.sem_alloc : memref<!tpu.dma_semaphore, #tpu.memory_space<semaphore_mem>>
      %dma_start3A_293 = arith.constant 0 : i32
      %dma_start3A_294 = arith.constant 0 : i32
      %dma_start3A_295 = arith.constant 0 : i32
      %dma_start3A_296 = tpu.memref_slice %arg3[%arg0, %add3A_84, %dma_start3A_293, %dma_start3A_294, %dma_start3A_295] : memref<2x1280x2x2x128xi32, #tpu.memory_space<hbm>> -> memref<1x1x2x2x128xi32, #tpu.memory_space<hbm>>
      %dma_start3A_297 = tpu.memref_squeeze %dma_start3A_296 : memref<1x1x2x2x128xi32, #tpu.memory_space<hbm>> -> memref<2x2x128xi32, #tpu.memory_space<hbm>>
      %dma_start3A_298 = arith.constant 0 : i32
      %dma_start3A_299 = arith.constant 0 : i32
      %dma_start3A_300 = arith.constant 0 : i32
      %dma_start3A_301 = tpu.memref_slice %arg3[%arg0, %add3A_84, %dma_start3A_298, %dma_start3A_299, %dma_start3A_300] : memref<2x1280x2x2x128xi32, #tpu.memory_space<hbm>> -> memref<1x1x2x2x128xi32, #tpu.memory_space<hbm>>
      %dma_start3A_302 = tpu.memref_squeeze %dma_start3A_301 : memref<1x1x2x2x128xi32, #tpu.memory_space<hbm>> -> memref<2x2x128xi32, #tpu.memory_space<hbm>>
      tpu.enqueue_dma source(%dma_start3A_302 : memref<2x2x128xi32, #tpu.memory_space<hbm>>) target(%arg10 : memref<2x2x128xi32, #tpu.memory_space<vmem>>) target_semaphore(%run_scoped3A : memref<!tpu.dma_semaphore, #tpu.memory_space<semaphore_mem>>)
      %dma_wait3A = arith.constant 0 : i32
      %dma_wait3A_303 = arith.constant 0 : i32
      %dma_wait3A_304 = arith.constant 0 : i32
      %dma_wait3A_305 = tpu.memref_slice %arg3[%arg0, %add3A_84, %dma_wait3A, %dma_wait3A_303, %dma_wait3A_304] : memref<2x1280x2x2x128xi32, #tpu.memory_space<hbm>> -> memref<1x1x2x2x128xi32, #tpu.memory_space<hbm>>
      %dma_wait3A_306 = tpu.memref_squeeze %dma_wait3A_305 : memref<1x1x2x2x128xi32, #tpu.memory_space<hbm>> -> memref<2x2x128xi32, #tpu.memory_space<hbm>>
      %dma_wait3A_307 = arith.constant 0 : i32
      %dma_wait3A_308 = arith.constant 0 : i32
      %dma_wait3A_309 = arith.constant 0 : i32
      %dma_wait3A_310 = tpu.memref_slice %arg3[%arg0, %add3A_84, %dma_wait3A_307, %dma_wait3A_308, %dma_wait3A_309] : memref<2x1280x2x2x128xi32, #tpu.memory_space<hbm>> -> memref<1x1x2x2x128xi32, #tpu.memory_space<hbm>>
      %dma_wait3A_311 = tpu.memref_squeeze %dma_wait3A_310 : memref<1x1x2x2x128xi32, #tpu.memory_space<hbm>> -> memref<2x2x128xi32, #tpu.memory_space<hbm>>
      tpu.wait_dma2 semaphore(%run_scoped3A : memref<!tpu.dma_semaphore, #tpu.memory_space<semaphore_mem>>) src(%dma_wait3A_311 : memref<2x2x128xi32, #tpu.memory_space<hbm>>) dst(%arg10 : memref<2x2x128xi32, #tpu.memory_space<vmem>>)
      tpu.yield
    }) : () -> ()
    %dma_start3A_85 = arith.constant 0 : i32
    %dma_start3A_86 = arith.constant 0 : i32
    %dma_start3A_87 = arith.constant 0 : i32
    %dma_start3A_88 = arith.constant 0 : i32
    %dma_start3A_89 = arith.constant 0 : i32
    %dma_start3A_90 = tpu.memref_slice %arg12[%dma_start3A_87, %dma_start3A_88, %dma_start3A_89] : memref<2x128x64xf32, #tpu.memory_space<vmem>> -> memref<1x128x64xf32, #tpu.memory_space<vmem>>
    %dma_start3A_91 = tpu.memref_squeeze %dma_start3A_90 : memref<1x128x64xf32, #tpu.memory_space<vmem>> -> memref<128x64xf32, #tpu.memory_space<vmem>>
    %dma_start3A_92 = arith.constant 0 : i32
    %dma_start3A_93 = tpu.memref_slice %arg10[%dma_start3A_85, %dma_start3A_86, %dma_start3A_92] : memref<2x2x128xi32, #tpu.memory_space<vmem>> -> memref<1x1x128xi32, #tpu.memory_space<vmem>>
    %dma_start3A_94 = tpu.memref_squeeze %dma_start3A_93 : memref<1x1x128xi32, #tpu.memory_space<vmem>> -> memref<128xi32, #tpu.memory_space<vmem>>
    %dma_start3A_95 = arith.constant 0 : i32
    %dma_start3A_96 = arith.constant 0 : i32
    %dma_start3A_97 = tpu.memref_slice %arg2[%dma_start3A_95, %dma_start3A_96] : memref<20224x64xf32, #tpu.memory_space<hbm>> -> memref<20224x64xf32, #tpu.memory_space<hbm>>
    tpu.enqueue_indirect_dma source(%dma_start3A_97 : memref<20224x64xf32, #tpu.memory_space<hbm>>) target(%dma_start3A_91 : memref<128x64xf32, #tpu.memory_space<vmem>>) offsets(%dma_start3A_94 : memref<128xi32, #tpu.memory_space<vmem>>) semaphore(%arg14 : memref<!tpu.dma_semaphore, #tpu.memory_space<semaphore_mem>>)
    %dma_start3A_98 = arith.constant 0 : i32
    %dma_start3A_99 = arith.constant 1 : i32
    %dma_start3A_100 = arith.constant 1 : i32
    %dma_start3A_101 = arith.constant 0 : i32
    %dma_start3A_102 = arith.constant 0 : i32
    %dma_start3A_103 = tpu.memref_slice %arg12[%dma_start3A_100, %dma_start3A_101, %dma_start3A_102] : memref<2x128x64xf32, #tpu.memory_space<vmem>> -> memref<1x128x64xf32, #tpu.memory_space<vmem>>
    %dma_start3A_104 = tpu.memref_squeeze %dma_start3A_103 : memref<1x128x64xf32, #tpu.memory_space<vmem>> -> memref<128x64xf32, #tpu.memory_space<vmem>>
    %dma_start3A_105 = arith.constant 0 : i32
    %dma_start3A_106 = tpu.memref_slice %arg10[%dma_start3A_98, %dma_start3A_99, %dma_start3A_105] : memref<2x2x128xi32, #tpu.memory_space<vmem>> -> memref<1x1x128xi32, #tpu.memory_space<vmem>>
    %dma_start3A_107 = tpu.memref_squeeze %dma_start3A_106 : memref<1x1x128xi32, #tpu.memory_space<vmem>> -> memref<128xi32, #tpu.memory_space<vmem>>
    %dma_start3A_108 = arith.constant 0 : i32
    %dma_start3A_109 = arith.constant 0 : i32
    %dma_start3A_110 = tpu.memref_slice %arg2[%dma_start3A_108, %dma_start3A_109] : memref<20224x64xf32, #tpu.memory_space<hbm>> -> memref<20224x64xf32, #tpu.memory_space<hbm>>
    tpu.enqueue_indirect_dma source(%dma_start3A_110 : memref<20224x64xf32, #tpu.memory_space<hbm>>) target(%dma_start3A_104 : memref<128x64xf32, #tpu.memory_space<vmem>>) offsets(%dma_start3A_107 : memref<128xi32, #tpu.memory_space<vmem>>) semaphore(%arg14 : memref<!tpu.dma_semaphore, #tpu.memory_space<semaphore_mem>>)
    tpu.wait_dma2 semaphore(%arg15 : memref<!tpu.dma_semaphore, #tpu.memory_space<semaphore_mem>>) src(%arg6 : memref<2x128x64xf32, #tpu.memory_space<hbm>>) dst(%arg12 : memref<2x128x64xf32, #tpu.memory_space<vmem>>)
    %dma_start3A_111 = arith.constant 0 : i32
    %dma_start3A_112 = arith.constant 1 : i32
    %dma_start3A_113 = arith.constant 0 : i32
    %dma_start3A_114 = arith.constant 0 : i32
    %dma_start3A_115 = arith.constant 0 : i32
    %dma_start3A_116 = tpu.memref_slice %arg13[%dma_start3A_111, %dma_start3A_114, %dma_start3A_115] : memref<2x128x64xf32, #tpu.memory_space<vmem>> -> memref<1x128x64xf32, #tpu.memory_space<vmem>>
    %dma_start3A_117 = tpu.memref_squeeze %dma_start3A_116 : memref<1x128x64xf32, #tpu.memory_space<vmem>> -> memref<128x64xf32, #tpu.memory_space<vmem>>
    %dma_start3A_118 = arith.constant 0 : i32
    %dma_start3A_119 = tpu.memref_slice %arg11[%dma_start3A_112, %dma_start3A_113, %dma_start3A_118] : memref<2x2x128xi32, #tpu.memory_space<vmem>> -> memref<1x1x128xi32, #tpu.memory_space<vmem>>
    %dma_start3A_120 = tpu.memref_squeeze %dma_start3A_119 : memref<1x1x128xi32, #tpu.memory_space<vmem>> -> memref<128xi32, #tpu.memory_space<vmem>>
    %dma_start3A_121 = arith.constant 0 : i32
    %dma_start3A_122 = arith.constant 0 : i32
    %dma_start3A_123 = tpu.memref_slice %arg8[%dma_start3A_121, %dma_start3A_122] : memref<10112x64xf32, #tpu.memory_space<vmem_shared>> -> memref<10112x64xf32, #tpu.memory_space<vmem_shared>>
    tpu.enqueue_indirect_dma source(%dma_start3A_117 : memref<128x64xf32, #tpu.memory_space<vmem>>) target(%dma_start3A_123 : memref<10112x64xf32, #tpu.memory_space<vmem_shared>>) offsets(%dma_start3A_120 : memref<128xi32, #tpu.memory_space<vmem>>) semaphore(%arg17 : memref<!tpu.dma_semaphore, #tpu.memory_space<semaphore_mem>>) {add = true}
    %dma_start3A_124 = arith.constant 1 : i32
    %dma_start3A_125 = arith.constant 1 : i32
    %dma_start3A_126 = arith.constant 1 : i32
    %dma_start3A_127 = arith.constant 0 : i32
    %dma_start3A_128 = arith.constant 0 : i32
    %dma_start3A_129 = tpu.memref_slice %arg13[%dma_start3A_124, %dma_start3A_127, %dma_start3A_128] : memref<2x128x64xf32, #tpu.memory_space<vmem>> -> memref<1x128x64xf32, #tpu.memory_space<vmem>>
    %dma_start3A_130 = tpu.memref_squeeze %dma_start3A_129 : memref<1x128x64xf32, #tpu.memory_space<vmem>> -> memref<128x64xf32, #tpu.memory_space<vmem>>
    %dma_start3A_131 = arith.constant 0 : i32
    %dma_start3A_132 = tpu.memref_slice %arg11[%dma_start3A_125, %dma_start3A_126, %dma_start3A_131] : memref<2x2x128xi32, #tpu.memory_space<vmem>> -> memref<1x1x128xi32, #tpu.memory_space<vmem>>
    %dma_start3A_133 = tpu.memref_squeeze %dma_start3A_132 : memref<1x1x128xi32, #tpu.memory_space<vmem>> -> memref<128xi32, #tpu.memory_space<vmem>>
    %dma_start3A_134 = arith.constant 0 : i32
    %dma_start3A_135 = arith.constant 0 : i32
    %dma_start3A_136 = tpu.memref_slice %arg8[%dma_start3A_134, %dma_start3A_135] : memref<10112x64xf32, #tpu.memory_space<vmem_shared>> -> memref<10112x64xf32, #tpu.memory_space<vmem_shared>>
    tpu.enqueue_indirect_dma source(%dma_start3A_130 : memref<128x64xf32, #tpu.memory_space<vmem>>) target(%dma_start3A_136 : memref<10112x64xf32, #tpu.memory_space<vmem_shared>>) offsets(%dma_start3A_133 : memref<128xi32, #tpu.memory_space<vmem>>) semaphore(%arg17 : memref<!tpu.dma_semaphore, #tpu.memory_space<semaphore_mem>>) {add = true}
    %scan3A = arith.constant 0 : i32
    %scan3A_137 = arith.constant 1 : i32
    %scan3A_138 = arith.constant 39 : i32
    %scan3A_139 = arith.addi %scan3A_137, %scan3A_138 : i32
    %scan3A_140 = arith.constant 1 : i32
    scf.for %scan3A_293 = %scan3A_137 to %scan3A_139 step %scan3A_140  : i32 {
      %mul3A_294 = arith.constant 2 : i32
      %mul3A_295 = arith.muli %mul3A_294, %scan3A_293 : i32
      %add3A_296 = arith.addi %mul3A_0, %mul3A_295 : i32
      tpu.wait_dma2 semaphore(%arg17 : memref<!tpu.dma_semaphore, #tpu.memory_space<semaphore_mem>>) src(%arg6 : memref<2x128x64xf32, #tpu.memory_space<hbm>>) dst(%arg12 : memref<2x128x64xf32, #tpu.memory_space<vmem>>)
      %add3A_297 = arith.constant 1 : i32
      %add3A_298 = arith.addi %add3A_296, %add3A_297 : i32
      "tpu.region"() ({
        %run_scoped3A = tpu.sem_alloc : memref<!tpu.dma_semaphore, #tpu.memory_space<semaphore_mem>>
        %dma_start3A_379 = arith.constant 0 : i32
        %dma_start3A_380 = arith.constant 0 : i32
        %dma_start3A_381 = arith.constant 0 : i32
        %dma_start3A_382 = tpu.memref_slice %arg3[%arg0, %add3A_298, %dma_start3A_379, %dma_start3A_380, %dma_start3A_381] : memref<2x1280x2x2x128xi32, #tpu.memory_space<hbm>> -> memref<1x1x2x2x128xi32, #tpu.memory_space<hbm>>
        %dma_start3A_383 = tpu.memref_squeeze %dma_start3A_382 : memref<1x1x2x2x128xi32, #tpu.memory_space<hbm>> -> memref<2x2x128xi32, #tpu.memory_space<hbm>>
        %dma_start3A_384 = arith.constant 0 : i32
        %dma_start3A_385 = arith.constant 0 : i32
        %dma_start3A_386 = arith.constant 0 : i32
        %dma_start3A_387 = tpu.memref_slice %arg3[%arg0, %add3A_298, %dma_start3A_384, %dma_start3A_385, %dma_start3A_386] : memref<2x1280x2x2x128xi32, #tpu.memory_space<hbm>> -> memref<1x1x2x2x128xi32, #tpu.memory_space<hbm>>
        %dma_start3A_388 = tpu.memref_squeeze %dma_start3A_387 : memref<1x1x2x2x128xi32, #tpu.memory_space<hbm>> -> memref<2x2x128xi32, #tpu.memory_space<hbm>>
        tpu.enqueue_dma source(%dma_start3A_388 : memref<2x2x128xi32, #tpu.memory_space<hbm>>) target(%arg11 : memref<2x2x128xi32, #tpu.memory_space<vmem>>) target_semaphore(%run_scoped3A : memref<!tpu.dma_semaphore, #tpu.memory_space<semaphore_mem>>)
        %dma_wait3A = arith.constant 0 : i32
        %dma_wait3A_389 = arith.constant 0 : i32
        %dma_wait3A_390 = arith.constant 0 : i32
        %dma_wait3A_391 = tpu.memref_slice %arg3[%arg0, %add3A_298, %dma_wait3A, %dma_wait3A_389, %dma_wait3A_390] : memref<2x1280x2x2x128xi32, #tpu.memory_space<hbm>> -> memref<1x1x2x2x128xi32, #tpu.memory_space<hbm>>
        %dma_wait3A_392 = tpu.memref_squeeze %dma_wait3A_391 : memref<1x1x2x2x128xi32, #tpu.memory_space<hbm>> -> memref<2x2x128xi32, #tpu.memory_space<hbm>>
        %dma_wait3A_393 = arith.constant 0 : i32
        %dma_wait3A_394 = arith.constant 0 : i32
        %dma_wait3A_395 = arith.constant 0 : i32
        %dma_wait3A_396 = tpu.memref_slice %arg3[%arg0, %add3A_298, %dma_wait3A_393, %dma_wait3A_394, %dma_wait3A_395] : memref<2x1280x2x2x128xi32, #tpu.memory_space<hbm>> -> memref<1x1x2x2x128xi32, #tpu.memory_space<hbm>>
        %dma_wait3A_397 = tpu.memref_squeeze %dma_wait3A_396 : memref<1x1x2x2x128xi32, #tpu.memory_space<hbm>> -> memref<2x2x128xi32, #tpu.memory_space<hbm>>
        tpu.wait_dma2 semaphore(%run_scoped3A : memref<!tpu.dma_semaphore, #tpu.memory_space<semaphore_mem>>) src(%dma_wait3A_397 : memref<2x2x128xi32, #tpu.memory_space<hbm>>) dst(%arg11 : memref<2x2x128xi32, #tpu.memory_space<vmem>>)
        tpu.yield
      }) : () -> ()
      %dma_start3A_299 = arith.constant 0 : i32
      %dma_start3A_300 = arith.constant 0 : i32
      %dma_start3A_301 = arith.constant 0 : i32
      %dma_start3A_302 = arith.constant 0 : i32
      %dma_start3A_303 = arith.constant 0 : i32
      %dma_start3A_304 = tpu.memref_slice %arg13[%dma_start3A_301, %dma_start3A_302, %dma_start3A_303] : memref<2x128x64xf32, #tpu.memory_space<vmem>> -> memref<1x128x64xf32, #tpu.memory_space<vmem>>
      %dma_start3A_305 = tpu.memref_squeeze %dma_start3A_304 : memref<1x128x64xf32, #tpu.memory_space<vmem>> -> memref<128x64xf32, #tpu.memory_space<vmem>>
      %dma_start3A_306 = arith.constant 0 : i32
      %dma_start3A_307 = tpu.memref_slice %arg11[%dma_start3A_299, %dma_start3A_300, %dma_start3A_306] : memref<2x2x128xi32, #tpu.memory_space<vmem>> -> memref<1x1x128xi32, #tpu.memory_space<vmem>>
      %dma_start3A_308 = tpu.memref_squeeze %dma_start3A_307 : memref<1x1x128xi32, #tpu.memory_space<vmem>> -> memref<128xi32, #tpu.memory_space<vmem>>
      %dma_start3A_309 = arith.constant 0 : i32
      %dma_start3A_310 = arith.constant 0 : i32
      %dma_start3A_311 = tpu.memref_slice %arg2[%dma_start3A_309, %dma_start3A_310] : memref<20224x64xf32, #tpu.memory_space<hbm>> -> memref<20224x64xf32, #tpu.memory_space<hbm>>
      tpu.enqueue_indirect_dma source(%dma_start3A_311 : memref<20224x64xf32, #tpu.memory_space<hbm>>) target(%dma_start3A_305 : memref<128x64xf32, #tpu.memory_space<vmem>>) offsets(%dma_start3A_308 : memref<128xi32, #tpu.memory_space<vmem>>) semaphore(%arg15 : memref<!tpu.dma_semaphore, #tpu.memory_space<semaphore_mem>>)
      %dma_start3A_312 = arith.constant 0 : i32
      %dma_start3A_313 = arith.constant 1 : i32
      %dma_start3A_314 = arith.constant 1 : i32
      %dma_start3A_315 = arith.constant 0 : i32
      %dma_start3A_316 = arith.constant 0 : i32
      %dma_start3A_317 = tpu.memref_slice %arg13[%dma_start3A_314, %dma_start3A_315, %dma_start3A_316] : memref<2x128x64xf32, #tpu.memory_space<vmem>> -> memref<1x128x64xf32, #tpu.memory_space<vmem>>
      %dma_start3A_318 = tpu.memref_squeeze %dma_start3A_317 : memref<1x128x64xf32, #tpu.memory_space<vmem>> -> memref<128x64xf32, #tpu.memory_space<vmem>>
      %dma_start3A_319 = arith.constant 0 : i32
      %dma_start3A_320 = tpu.memref_slice %arg11[%dma_start3A_312, %dma_start3A_313, %dma_start3A_319] : memref<2x2x128xi32, #tpu.memory_space<vmem>> -> memref<1x1x128xi32, #tpu.memory_space<vmem>>
      %dma_start3A_321 = tpu.memref_squeeze %dma_start3A_320 : memref<1x1x128xi32, #tpu.memory_space<vmem>> -> memref<128xi32, #tpu.memory_space<vmem>>
      %dma_start3A_322 = arith.constant 0 : i32
      %dma_start3A_323 = arith.constant 0 : i32
      %dma_start3A_324 = tpu.memref_slice %arg2[%dma_start3A_322, %dma_start3A_323] : memref<20224x64xf32, #tpu.memory_space<hbm>> -> memref<20224x64xf32, #tpu.memory_space<hbm>>
      tpu.enqueue_indirect_dma source(%dma_start3A_324 : memref<20224x64xf32, #tpu.memory_space<hbm>>) target(%dma_start3A_318 : memref<128x64xf32, #tpu.memory_space<vmem>>) offsets(%dma_start3A_321 : memref<128xi32, #tpu.memory_space<vmem>>) semaphore(%arg15 : memref<!tpu.dma_semaphore, #tpu.memory_space<semaphore_mem>>)
      tpu.wait_dma2 semaphore(%arg14 : memref<!tpu.dma_semaphore, #tpu.memory_space<semaphore_mem>>) src(%arg6 : memref<2x128x64xf32, #tpu.memory_space<hbm>>) dst(%arg12 : memref<2x128x64xf32, #tpu.memory_space<vmem>>)
      %dma_start3A_325 = arith.constant 0 : i32
      %dma_start3A_326 = arith.constant 1 : i32
      %dma_start3A_327 = arith.constant 0 : i32
      %dma_start3A_328 = arith.constant 0 : i32
      %dma_start3A_329 = arith.constant 0 : i32
      %dma_start3A_330 = tpu.memref_slice %arg12[%dma_start3A_325, %dma_start3A_328, %dma_start3A_329] : memref<2x128x64xf32, #tpu.memory_space<vmem>> -> memref<1x128x64xf32, #tpu.memory_space<vmem>>
      %dma_start3A_331 = tpu.memref_squeeze %dma_start3A_330 : memref<1x128x64xf32, #tpu.memory_space<vmem>> -> memref<128x64xf32, #tpu.memory_space<vmem>>
      %dma_start3A_332 = arith.constant 0 : i32
      %dma_start3A_333 = tpu.memref_slice %arg10[%dma_start3A_326, %dma_start3A_327, %dma_start3A_332] : memref<2x2x128xi32, #tpu.memory_space<vmem>> -> memref<1x1x128xi32, #tpu.memory_space<vmem>>
      %dma_start3A_334 = tpu.memref_squeeze %dma_start3A_333 : memref<1x1x128xi32, #tpu.memory_space<vmem>> -> memref<128xi32, #tpu.memory_space<vmem>>
      %dma_start3A_335 = arith.constant 0 : i32
      %dma_start3A_336 = arith.constant 0 : i32
      %dma_start3A_337 = tpu.memref_slice %arg8[%dma_start3A_335, %dma_start3A_336] : memref<10112x64xf32, #tpu.memory_space<vmem_shared>> -> memref<10112x64xf32, #tpu.memory_space<vmem_shared>>
      tpu.enqueue_indirect_dma source(%dma_start3A_331 : memref<128x64xf32, #tpu.memory_space<vmem>>) target(%dma_start3A_337 : memref<10112x64xf32, #tpu.memory_space<vmem_shared>>) offsets(%dma_start3A_334 : memref<128xi32, #tpu.memory_space<vmem>>) semaphore(%arg16 : memref<!tpu.dma_semaphore, #tpu.memory_space<semaphore_mem>>) {add = true}
      %dma_start3A_338 = arith.constant 1 : i32
      %dma_start3A_339 = arith.constant 1 : i32
      %dma_start3A_340 = arith.constant 1 : i32
      %dma_start3A_341 = arith.constant 0 : i32
      %dma_start3A_342 = arith.constant 0 : i32
      %dma_start3A_343 = tpu.memref_slice %arg12[%dma_start3A_338, %dma_start3A_341, %dma_start3A_342] : memref<2x128x64xf32, #tpu.memory_space<vmem>> -> memref<1x128x64xf32, #tpu.memory_space<vmem>>
      %dma_start3A_344 = tpu.memref_squeeze %dma_start3A_343 : memref<1x128x64xf32, #tpu.memory_space<vmem>> -> memref<128x64xf32, #tpu.memory_space<vmem>>
      %dma_start3A_345 = arith.constant 0 : i32
      %dma_start3A_346 = tpu.memref_slice %arg10[%dma_start3A_339, %dma_start3A_340, %dma_start3A_345] : memref<2x2x128xi32, #tpu.memory_space<vmem>> -> memref<1x1x128xi32, #tpu.memory_space<vmem>>
      %dma_start3A_347 = tpu.memref_squeeze %dma_start3A_346 : memref<1x1x128xi32, #tpu.memory_space<vmem>> -> memref<128xi32, #tpu.memory_space<vmem>>
      %dma_start3A_348 = arith.constant 0 : i32
      %dma_start3A_349 = arith.constant 0 : i32
      %dma_start3A_350 = tpu.memref_slice %arg8[%dma_start3A_348, %dma_start3A_349] : memref<10112x64xf32, #tpu.memory_space<vmem_shared>> -> memref<10112x64xf32, #tpu.memory_space<vmem_shared>>
      tpu.enqueue_indirect_dma source(%dma_start3A_344 : memref<128x64xf32, #tpu.memory_space<vmem>>) target(%dma_start3A_350 : memref<10112x64xf32, #tpu.memory_space<vmem_shared>>) offsets(%dma_start3A_347 : memref<128xi32, #tpu.memory_space<vmem>>) semaphore(%arg16 : memref<!tpu.dma_semaphore, #tpu.memory_space<semaphore_mem>>) {add = true}
      tpu.wait_dma2 semaphore(%arg16 : memref<!tpu.dma_semaphore, #tpu.memory_space<semaphore_mem>>) src(%arg6 : memref<2x128x64xf32, #tpu.memory_space<hbm>>) dst(%arg12 : memref<2x128x64xf32, #tpu.memory_space<vmem>>)
      %lt3A = arith.constant 39 : i32
      %lt3A_351 = arith.cmpi slt, %scan3A_293, %lt3A : i32
      %convert_element_type3A = arith.extui %lt3A_351 : i1 to i32
      %cond3A = arith.constant 0 : i32
      %cond3A_352 = arith.cmpi ne, %convert_element_type3A, %cond3A : i32
      scf.if %cond3A_352 {
        %add3A_379 = arith.constant 2 : i32
        %add3A_380 = arith.addi %add3A_296, %add3A_379 : i32
        "tpu.region"() ({
          %run_scoped3A = tpu.sem_alloc : memref<!tpu.dma_semaphore, #tpu.memory_space<semaphore_mem>>
          %dma_start3A_407 = arith.constant 0 : i32
          %dma_start3A_408 = arith.constant 0 : i32
          %dma_start3A_409 = arith.constant 0 : i32
          %dma_start3A_410 = tpu.memref_slice %arg3[%arg0, %add3A_380, %dma_start3A_407, %dma_start3A_408, %dma_start3A_409] : memref<2x1280x2x2x128xi32, #tpu.memory_space<hbm>> -> memref<1x1x2x2x128xi32, #tpu.memory_space<hbm>>
          %dma_start3A_411 = tpu.memref_squeeze %dma_start3A_410 : memref<1x1x2x2x128xi32, #tpu.memory_space<hbm>> -> memref<2x2x128xi32, #tpu.memory_space<hbm>>
          %dma_start3A_412 = arith.constant 0 : i32
          %dma_start3A_413 = arith.constant 0 : i32
          %dma_start3A_414 = arith.constant 0 : i32
          %dma_start3A_415 = tpu.memref_slice %arg3[%arg0, %add3A_380, %dma_start3A_412, %dma_start3A_413, %dma_start3A_414] : memref<2x1280x2x2x128xi32, #tpu.memory_space<hbm>> -> memref<1x1x2x2x128xi32, #tpu.memory_space<hbm>>
          %dma_start3A_416 = tpu.memref_squeeze %dma_start3A_415 : memref<1x1x2x2x128xi32, #tpu.memory_space<hbm>> -> memref<2x2x128xi32, #tpu.memory_space<hbm>>
          tpu.enqueue_dma source(%dma_start3A_416 : memref<2x2x128xi32, #tpu.memory_space<hbm>>) target(%arg10 : memref<2x2x128xi32, #tpu.memory_space<vmem>>) target_semaphore(%run_scoped3A : memref<!tpu.dma_semaphore, #tpu.memory_space<semaphore_mem>>)
          %dma_wait3A = arith.constant 0 : i32
          %dma_wait3A_417 = arith.constant 0 : i32
          %dma_wait3A_418 = arith.constant 0 : i32
          %dma_wait3A_419 = tpu.memref_slice %arg3[%arg0, %add3A_380, %dma_wait3A, %dma_wait3A_417, %dma_wait3A_418] : memref<2x1280x2x2x128xi32, #tpu.memory_space<hbm>> -> memref<1x1x2x2x128xi32, #tpu.memory_space<hbm>>
          %dma_wait3A_420 = tpu.memref_squeeze %dma_wait3A_419 : memref<1x1x2x2x128xi32, #tpu.memory_space<hbm>> -> memref<2x2x128xi32, #tpu.memory_space<hbm>>
          %dma_wait3A_421 = arith.constant 0 : i32
          %dma_wait3A_422 = arith.constant 0 : i32
          %dma_wait3A_423 = arith.constant 0 : i32
          %dma_wait3A_424 = tpu.memref_slice %arg3[%arg0, %add3A_380, %dma_wait3A_421, %dma_wait3A_422, %dma_wait3A_423] : memref<2x1280x2x2x128xi32, #tpu.memory_space<hbm>> -> memref<1x1x2x2x128xi32, #tpu.memory_space<hbm>>
          %dma_wait3A_425 = tpu.memref_squeeze %dma_wait3A_424 : memref<1x1x2x2x128xi32, #tpu.memory_space<hbm>> -> memref<2x2x128xi32, #tpu.memory_space<hbm>>
          tpu.wait_dma2 semaphore(%run_scoped3A : memref<!tpu.dma_semaphore, #tpu.memory_space<semaphore_mem>>) src(%dma_wait3A_425 : memref<2x2x128xi32, #tpu.memory_space<hbm>>) dst(%arg10 : memref<2x2x128xi32, #tpu.memory_space<vmem>>)
          tpu.yield
        }) : () -> ()
        %dma_start3A_381 = arith.constant 0 : i32
        %dma_start3A_382 = arith.constant 0 : i32
        %dma_start3A_383 = arith.constant 0 : i32
        %dma_start3A_384 = arith.constant 0 : i32
        %dma_start3A_385 = arith.constant 0 : i32
        %dma_start3A_386 = tpu.memref_slice %arg12[%dma_start3A_383, %dma_start3A_384, %dma_start3A_385] : memref<2x128x64xf32, #tpu.memory_space<vmem>> -> memref<1x128x64xf32, #tpu.memory_space<vmem>>
        %dma_start3A_387 = tpu.memref_squeeze %dma_start3A_386 : memref<1x128x64xf32, #tpu.memory_space<vmem>> -> memref<128x64xf32, #tpu.memory_space<vmem>>
        %dma_start3A_388 = arith.constant 0 : i32
        %dma_start3A_389 = tpu.memref_slice %arg10[%dma_start3A_381, %dma_start3A_382, %dma_start3A_388] : memref<2x2x128xi32, #tpu.memory_space<vmem>> -> memref<1x1x128xi32, #tpu.memory_space<vmem>>
        %dma_start3A_390 = tpu.memref_squeeze %dma_start3A_389 : memref<1x1x128xi32, #tpu.memory_space<vmem>> -> memref<128xi32, #tpu.memory_space<vmem>>
        %dma_start3A_391 = arith.constant 0 : i32
        %dma_start3A_392 = arith.constant 0 : i32
        %dma_start3A_393 = tpu.memref_slice %arg2[%dma_start3A_391, %dma_start3A_392] : memref<20224x64xf32, #tpu.memory_space<hbm>> -> memref<20224x64xf32, #tpu.memory_space<hbm>>
        tpu.enqueue_indirect_dma source(%dma_start3A_393 : memref<20224x64xf32, #tpu.memory_space<hbm>>) target(%dma_start3A_387 : memref<128x64xf32, #tpu.memory_space<vmem>>) offsets(%dma_start3A_390 : memref<128xi32, #tpu.memory_space<vmem>>) semaphore(%arg14 : memref<!tpu.dma_semaphore, #tpu.memory_space<semaphore_mem>>)
        %dma_start3A_394 = arith.constant 0 : i32
        %dma_start3A_395 = arith.constant 1 : i32
        %dma_start3A_396 = arith.constant 1 : i32
        %dma_start3A_397 = arith.constant 0 : i32
        %dma_start3A_398 = arith.constant 0 : i32
        %dma_start3A_399 = tpu.memref_slice %arg12[%dma_start3A_396, %dma_start3A_397, %dma_start3A_398] : memref<2x128x64xf32, #tpu.memory_space<vmem>> -> memref<1x128x64xf32, #tpu.memory_space<vmem>>
        %dma_start3A_400 = tpu.memref_squeeze %dma_start3A_399 : memref<1x128x64xf32, #tpu.memory_space<vmem>> -> memref<128x64xf32, #tpu.memory_space<vmem>>
        %dma_start3A_401 = arith.constant 0 : i32
        %dma_start3A_402 = tpu.memref_slice %arg10[%dma_start3A_394, %dma_start3A_395, %dma_start3A_401] : memref<2x2x128xi32, #tpu.memory_space<vmem>> -> memref<1x1x128xi32, #tpu.memory_space<vmem>>
        %dma_start3A_403 = tpu.memref_squeeze %dma_start3A_402 : memref<1x1x128xi32, #tpu.memory_space<vmem>> -> memref<128xi32, #tpu.memory_space<vmem>>
        %dma_start3A_404 = arith.constant 0 : i32
        %dma_start3A_405 = arith.constant 0 : i32
        %dma_start3A_406 = tpu.memref_slice %arg2[%dma_start3A_404, %dma_start3A_405] : memref<20224x64xf32, #tpu.memory_space<hbm>> -> memref<20224x64xf32, #tpu.memory_space<hbm>>
        tpu.enqueue_indirect_dma source(%dma_start3A_406 : memref<20224x64xf32, #tpu.memory_space<hbm>>) target(%dma_start3A_400 : memref<128x64xf32, #tpu.memory_space<vmem>>) offsets(%dma_start3A_403 : memref<128xi32, #tpu.memory_space<vmem>>) semaphore(%arg14 : memref<!tpu.dma_semaphore, #tpu.memory_space<semaphore_mem>>)
      } else {
      }
      tpu.wait_dma2 semaphore(%arg15 : memref<!tpu.dma_semaphore, #tpu.memory_space<semaphore_mem>>) src(%arg6 : memref<2x128x64xf32, #tpu.memory_space<hbm>>) dst(%arg12 : memref<2x128x64xf32, #tpu.memory_space<vmem>>)
      %dma_start3A_353 = arith.constant 0 : i32
      %dma_start3A_354 = arith.constant 1 : i32
      %dma_start3A_355 = arith.constant 0 : i32
      %dma_start3A_356 = arith.constant 0 : i32
      %dma_start3A_357 = arith.constant 0 : i32
      %dma_start3A_358 = tpu.memref_slice %arg13[%dma_start3A_353, %dma_start3A_356, %dma_start3A_357] : memref<2x128x64xf32, #tpu.memory_space<vmem>> -> memref<1x128x64xf32, #tpu.memory_space<vmem>>
      %dma_start3A_359 = tpu.memref_squeeze %dma_start3A_358 : memref<1x128x64xf32, #tpu.memory_space<vmem>> -> memref<128x64xf32, #tpu.memory_space<vmem>>
      %dma_start3A_360 = arith.constant 0 : i32
      %dma_start3A_361 = tpu.memref_slice %arg11[%dma_start3A_354, %dma_start3A_355, %dma_start3A_360] : memref<2x2x128xi32, #tpu.memory_space<vmem>> -> memref<1x1x128xi32, #tpu.memory_space<vmem>>
      %dma_start3A_362 = tpu.memref_squeeze %dma_start3A_361 : memref<1x1x128xi32, #tpu.memory_space<vmem>> -> memref<128xi32, #tpu.memory_space<vmem>>
      %dma_start3A_363 = arith.constant 0 : i32
      %dma_start3A_364 = arith.constant 0 : i32
      %dma_start3A_365 = tpu.memref_slice %arg8[%dma_start3A_363, %dma_start3A_364] : memref<10112x64xf32, #tpu.memory_space<vmem_shared>> -> memref<10112x64xf32, #tpu.memory_space<vmem_shared>>
      tpu.enqueue_indirect_dma source(%dma_start3A_359 : memref<128x64xf32, #tpu.memory_space<vmem>>) target(%dma_start3A_365 : memref<10112x64xf32, #tpu.memory_space<vmem_shared>>) offsets(%dma_start3A_362 : memref<128xi32, #tpu.memory_space<vmem>>) semaphore(%arg17 : memref<!tpu.dma_semaphore, #tpu.memory_space<semaphore_mem>>) {add = true}
      %dma_start3A_366 = arith.constant 1 : i32
      %dma_start3A_367 = arith.constant 1 : i32
      %dma_start3A_368 = arith.constant 1 : i32
      %dma_start3A_369 = arith.constant 0 : i32
      %dma_start3A_370 = arith.constant 0 : i32
      %dma_start3A_371 = tpu.memref_slice %arg13[%dma_start3A_366, %dma_start3A_369, %dma_start3A_370] : memref<2x128x64xf32, #tpu.memory_space<vmem>> -> memref<1x128x64xf32, #tpu.memory_space<vmem>>
      %dma_start3A_372 = tpu.memref_squeeze %dma_start3A_371 : memref<1x128x64xf32, #tpu.memory_space<vmem>> -> memref<128x64xf32, #tpu.memory_space<vmem>>
      %dma_start3A_373 = arith.constant 0 : i32
      %dma_start3A_374 = tpu.memref_slice %arg11[%dma_start3A_367, %dma_start3A_368, %dma_start3A_373] : memref<2x2x128xi32, #tpu.memory_space<vmem>> -> memref<1x1x128xi32, #tpu.memory_space<vmem>>
      %dma_start3A_375 = tpu.memref_squeeze %dma_start3A_374 : memref<1x1x128xi32, #tpu.memory_space<vmem>> -> memref<128xi32, #tpu.memory_space<vmem>>
      %dma_start3A_376 = arith.constant 0 : i32
      %dma_start3A_377 = arith.constant 0 : i32
      %dma_start3A_378 = tpu.memref_slice %arg8[%dma_start3A_376, %dma_start3A_377] : memref<10112x64xf32, #tpu.memory_space<vmem_shared>> -> memref<10112x64xf32, #tpu.memory_space<vmem_shared>>
      tpu.enqueue_indirect_dma source(%dma_start3A_372 : memref<128x64xf32, #tpu.memory_space<vmem>>) target(%dma_start3A_378 : memref<10112x64xf32, #tpu.memory_space<vmem_shared>>) offsets(%dma_start3A_375 : memref<128xi32, #tpu.memory_space<vmem>>) semaphore(%arg17 : memref<!tpu.dma_semaphore, #tpu.memory_space<semaphore_mem>>) {add = true}
    }
    %scan3A_141 = arith.constant 39 : i32
    tpu.wait_dma2 semaphore(%arg17 : memref<!tpu.dma_semaphore, #tpu.memory_space<semaphore_mem>>) src(%arg6 : memref<2x128x64xf32, #tpu.memory_space<hbm>>) dst(%arg12 : memref<2x128x64xf32, #tpu.memory_space<vmem>>)
    %barrier3A_142 = arith.constant 0 : index
    tpu.barrier barrier_id(%barrier3A_142)
    %mul3A_143 = arith.constant 80 : i32
    %mul3A_144 = arith.muli %arg1, %mul3A_143 : i32
    "tpu.region"() ({
      %run_scoped3A = tpu.sem_alloc : memref<!tpu.dma_semaphore, #tpu.memory_space<semaphore_mem>>
      %dma_start3A_293 = arith.constant 0 : i32
      %dma_start3A_294 = arith.constant 0 : i32
      %dma_start3A_295 = arith.constant 0 : i32
      %dma_start3A_296 = tpu.memref_slice %arg4[%mul3A_144, %dma_start3A_293, %dma_start3A_294, %dma_start3A_295] : memref<1280x2x2x128xi32, #tpu.memory_space<hbm>> -> memref<1x2x2x128xi32, #tpu.memory_space<hbm>>
      %dma_start3A_297 = tpu.memref_squeeze %dma_start3A_296 : memref<1x2x2x128xi32, #tpu.memory_space<hbm>> -> memref<2x2x128xi32, #tpu.memory_space<hbm>>
      %dma_start3A_298 = arith.constant 0 : i32
      %dma_start3A_299 = arith.constant 0 : i32
      %dma_start3A_300 = arith.constant 0 : i32
      %dma_start3A_301 = tpu.memref_slice %arg4[%mul3A_144, %dma_start3A_298, %dma_start3A_299, %dma_start3A_300] : memref<1280x2x2x128xi32, #tpu.memory_space<hbm>> -> memref<1x2x2x128xi32, #tpu.memory_space<hbm>>
      %dma_start3A_302 = tpu.memref_squeeze %dma_start3A_301 : memref<1x2x2x128xi32, #tpu.memory_space<hbm>> -> memref<2x2x128xi32, #tpu.memory_space<hbm>>
      tpu.enqueue_dma source(%dma_start3A_302 : memref<2x2x128xi32, #tpu.memory_space<hbm>>) target(%arg10 : memref<2x2x128xi32, #tpu.memory_space<vmem>>) target_semaphore(%run_scoped3A : memref<!tpu.dma_semaphore, #tpu.memory_space<semaphore_mem>>)
      %dma_wait3A = arith.constant 0 : i32
      %dma_wait3A_303 = arith.constant 0 : i32
      %dma_wait3A_304 = arith.constant 0 : i32
      %dma_wait3A_305 = tpu.memref_slice %arg4[%mul3A_144, %dma_wait3A, %dma_wait3A_303, %dma_wait3A_304] : memref<1280x2x2x128xi32, #tpu.memory_space<hbm>> -> memref<1x2x2x128xi32, #tpu.memory_space<hbm>>
      %dma_wait3A_306 = tpu.memref_squeeze %dma_wait3A_305 : memref<1x2x2x128xi32, #tpu.memory_space<hbm>> -> memref<2x2x128xi32, #tpu.memory_space<hbm>>
      %dma_wait3A_307 = arith.constant 0 : i32
      %dma_wait3A_308 = arith.constant 0 : i32
      %dma_wait3A_309 = arith.constant 0 : i32
      %dma_wait3A_310 = tpu.memref_slice %arg4[%mul3A_144, %dma_wait3A_307, %dma_wait3A_308, %dma_wait3A_309] : memref<1280x2x2x128xi32, #tpu.memory_space<hbm>> -> memref<1x2x2x128xi32, #tpu.memory_space<hbm>>
      %dma_wait3A_311 = tpu.memref_squeeze %dma_wait3A_310 : memref<1x2x2x128xi32, #tpu.memory_space<hbm>> -> memref<2x2x128xi32, #tpu.memory_space<hbm>>
      tpu.wait_dma2 semaphore(%run_scoped3A : memref<!tpu.dma_semaphore, #tpu.memory_space<semaphore_mem>>) src(%dma_wait3A_311 : memref<2x2x128xi32, #tpu.memory_space<hbm>>) dst(%arg10 : memref<2x2x128xi32, #tpu.memory_space<vmem>>)
      tpu.yield
    }) : () -> ()
    %dma_start3A_145 = arith.constant 0 : i32
    %dma_start3A_146 = arith.constant 0 : i32
    %dma_start3A_147 = arith.constant 0 : i32
    %dma_start3A_148 = arith.constant 0 : i32
    %dma_start3A_149 = arith.constant 0 : i32
    %dma_start3A_150 = tpu.memref_slice %arg12[%dma_start3A_147, %dma_start3A_148, %dma_start3A_149] : memref<2x128x64xf32, #tpu.memory_space<vmem>> -> memref<1x128x64xf32, #tpu.memory_space<vmem>>
    %dma_start3A_151 = tpu.memref_squeeze %dma_start3A_150 : memref<1x128x64xf32, #tpu.memory_space<vmem>> -> memref<128x64xf32, #tpu.memory_space<vmem>>
    %dma_start3A_152 = arith.constant 0 : i32
    %dma_start3A_153 = tpu.memref_slice %arg10[%dma_start3A_145, %dma_start3A_146, %dma_start3A_152] : memref<2x2x128xi32, #tpu.memory_space<vmem>> -> memref<1x1x128xi32, #tpu.memory_space<vmem>>
    %dma_start3A_154 = tpu.memref_squeeze %dma_start3A_153 : memref<1x1x128xi32, #tpu.memory_space<vmem>> -> memref<128xi32, #tpu.memory_space<vmem>>
    %dma_start3A_155 = arith.constant 0 : i32
    %dma_start3A_156 = arith.constant 0 : i32
    %dma_start3A_157 = tpu.memref_slice %arg8[%dma_start3A_155, %dma_start3A_156] : memref<10112x64xf32, #tpu.memory_space<vmem_shared>> -> memref<10112x64xf32, #tpu.memory_space<vmem_shared>>
    tpu.enqueue_indirect_dma source(%dma_start3A_157 : memref<10112x64xf32, #tpu.memory_space<vmem_shared>>) target(%dma_start3A_151 : memref<128x64xf32, #tpu.memory_space<vmem>>) offsets(%dma_start3A_154 : memref<128xi32, #tpu.memory_space<vmem>>) semaphore(%arg14 : memref<!tpu.dma_semaphore, #tpu.memory_space<semaphore_mem>>)
    %dma_start3A_158 = arith.constant 0 : i32
    %dma_start3A_159 = arith.constant 1 : i32
    %dma_start3A_160 = arith.constant 1 : i32
    %dma_start3A_161 = arith.constant 0 : i32
    %dma_start3A_162 = arith.constant 0 : i32
    %dma_start3A_163 = tpu.memref_slice %arg12[%dma_start3A_160, %dma_start3A_161, %dma_start3A_162] : memref<2x128x64xf32, #tpu.memory_space<vmem>> -> memref<1x128x64xf32, #tpu.memory_space<vmem>>
    %dma_start3A_164 = tpu.memref_squeeze %dma_start3A_163 : memref<1x128x64xf32, #tpu.memory_space<vmem>> -> memref<128x64xf32, #tpu.memory_space<vmem>>
    %dma_start3A_165 = arith.constant 0 : i32
    %dma_start3A_166 = tpu.memref_slice %arg10[%dma_start3A_158, %dma_start3A_159, %dma_start3A_165] : memref<2x2x128xi32, #tpu.memory_space<vmem>> -> memref<1x1x128xi32, #tpu.memory_space<vmem>>
    %dma_start3A_167 = tpu.memref_squeeze %dma_start3A_166 : memref<1x1x128xi32, #tpu.memory_space<vmem>> -> memref<128xi32, #tpu.memory_space<vmem>>
    %dma_start3A_168 = arith.constant 0 : i32
    %dma_start3A_169 = arith.constant 0 : i32
    %dma_start3A_170 = tpu.memref_slice %arg8[%dma_start3A_168, %dma_start3A_169] : memref<10112x64xf32, #tpu.memory_space<vmem_shared>> -> memref<10112x64xf32, #tpu.memory_space<vmem_shared>>
    tpu.enqueue_indirect_dma source(%dma_start3A_170 : memref<10112x64xf32, #tpu.memory_space<vmem_shared>>) target(%dma_start3A_164 : memref<128x64xf32, #tpu.memory_space<vmem>>) offsets(%dma_start3A_167 : memref<128xi32, #tpu.memory_space<vmem>>) semaphore(%arg14 : memref<!tpu.dma_semaphore, #tpu.memory_space<semaphore_mem>>)
    %add3A_171 = arith.constant 1 : i32
    %add3A_172 = arith.addi %mul3A_144, %add3A_171 : i32
    "tpu.region"() ({
      %run_scoped3A = tpu.sem_alloc : memref<!tpu.dma_semaphore, #tpu.memory_space<semaphore_mem>>
      %dma_start3A_293 = arith.constant 0 : i32
      %dma_start3A_294 = arith.constant 0 : i32
      %dma_start3A_295 = arith.constant 0 : i32
      %dma_start3A_296 = tpu.memref_slice %arg4[%add3A_172, %dma_start3A_293, %dma_start3A_294, %dma_start3A_295] : memref<1280x2x2x128xi32, #tpu.memory_space<hbm>> -> memref<1x2x2x128xi32, #tpu.memory_space<hbm>>
      %dma_start3A_297 = tpu.memref_squeeze %dma_start3A_296 : memref<1x2x2x128xi32, #tpu.memory_space<hbm>> -> memref<2x2x128xi32, #tpu.memory_space<hbm>>
      %dma_start3A_298 = arith.constant 0 : i32
      %dma_start3A_299 = arith.constant 0 : i32
      %dma_start3A_300 = arith.constant 0 : i32
      %dma_start3A_301 = tpu.memref_slice %arg4[%add3A_172, %dma_start3A_298, %dma_start3A_299, %dma_start3A_300] : memref<1280x2x2x128xi32, #tpu.memory_space<hbm>> -> memref<1x2x2x128xi32, #tpu.memory_space<hbm>>
      %dma_start3A_302 = tpu.memref_squeeze %dma_start3A_301 : memref<1x2x2x128xi32, #tpu.memory_space<hbm>> -> memref<2x2x128xi32, #tpu.memory_space<hbm>>
      tpu.enqueue_dma source(%dma_start3A_302 : memref<2x2x128xi32, #tpu.memory_space<hbm>>) target(%arg11 : memref<2x2x128xi32, #tpu.memory_space<vmem>>) target_semaphore(%run_scoped3A : memref<!tpu.dma_semaphore, #tpu.memory_space<semaphore_mem>>)
      %dma_wait3A = arith.constant 0 : i32
      %dma_wait3A_303 = arith.constant 0 : i32
      %dma_wait3A_304 = arith.constant 0 : i32
      %dma_wait3A_305 = tpu.memref_slice %arg4[%add3A_172, %dma_wait3A, %dma_wait3A_303, %dma_wait3A_304] : memref<1280x2x2x128xi32, #tpu.memory_space<hbm>> -> memref<1x2x2x128xi32, #tpu.memory_space<hbm>>
      %dma_wait3A_306 = tpu.memref_squeeze %dma_wait3A_305 : memref<1x2x2x128xi32, #tpu.memory_space<hbm>> -> memref<2x2x128xi32, #tpu.memory_space<hbm>>
      %dma_wait3A_307 = arith.constant 0 : i32
      %dma_wait3A_308 = arith.constant 0 : i32
      %dma_wait3A_309 = arith.constant 0 : i32
      %dma_wait3A_310 = tpu.memref_slice %arg4[%add3A_172, %dma_wait3A_307, %dma_wait3A_308, %dma_wait3A_309] : memref<1280x2x2x128xi32, #tpu.memory_space<hbm>> -> memref<1x2x2x128xi32, #tpu.memory_space<hbm>>
      %dma_wait3A_311 = tpu.memref_squeeze %dma_wait3A_310 : memref<1x2x2x128xi32, #tpu.memory_space<hbm>> -> memref<2x2x128xi32, #tpu.memory_space<hbm>>
      tpu.wait_dma2 semaphore(%run_scoped3A : memref<!tpu.dma_semaphore, #tpu.memory_space<semaphore_mem>>) src(%dma_wait3A_311 : memref<2x2x128xi32, #tpu.memory_space<hbm>>) dst(%arg11 : memref<2x2x128xi32, #tpu.memory_space<vmem>>)
      tpu.yield
    }) : () -> ()
    %dma_start3A_173 = arith.constant 0 : i32
    %dma_start3A_174 = arith.constant 0 : i32
    %dma_start3A_175 = arith.constant 0 : i32
    %dma_start3A_176 = arith.constant 0 : i32
    %dma_start3A_177 = arith.constant 0 : i32
    %dma_start3A_178 = tpu.memref_slice %arg13[%dma_start3A_175, %dma_start3A_176, %dma_start3A_177] : memref<2x128x64xf32, #tpu.memory_space<vmem>> -> memref<1x128x64xf32, #tpu.memory_space<vmem>>
    %dma_start3A_179 = tpu.memref_squeeze %dma_start3A_178 : memref<1x128x64xf32, #tpu.memory_space<vmem>> -> memref<128x64xf32, #tpu.memory_space<vmem>>
    %dma_start3A_180 = arith.constant 0 : i32
    %dma_start3A_181 = tpu.memref_slice %arg11[%dma_start3A_173, %dma_start3A_174, %dma_start3A_180] : memref<2x2x128xi32, #tpu.memory_space<vmem>> -> memref<1x1x128xi32, #tpu.memory_space<vmem>>
    %dma_start3A_182 = tpu.memref_squeeze %dma_start3A_181 : memref<1x1x128xi32, #tpu.memory_space<vmem>> -> memref<128xi32, #tpu.memory_space<vmem>>
    %dma_start3A_183 = arith.constant 0 : i32
    %dma_start3A_184 = arith.constant 0 : i32
    %dma_start3A_185 = tpu.memref_slice %arg8[%dma_start3A_183, %dma_start3A_184] : memref<10112x64xf32, #tpu.memory_space<vmem_shared>> -> memref<10112x64xf32, #tpu.memory_space<vmem_shared>>
    tpu.enqueue_indirect_dma source(%dma_start3A_185 : memref<10112x64xf32, #tpu.memory_space<vmem_shared>>) target(%dma_start3A_179 : memref<128x64xf32, #tpu.memory_space<vmem>>) offsets(%dma_start3A_182 : memref<128xi32, #tpu.memory_space<vmem>>) semaphore(%arg15 : memref<!tpu.dma_semaphore, #tpu.memory_space<semaphore_mem>>)
    %dma_start3A_186 = arith.constant 0 : i32
    %dma_start3A_187 = arith.constant 1 : i32
    %dma_start3A_188 = arith.constant 1 : i32
    %dma_start3A_189 = arith.constant 0 : i32
    %dma_start3A_190 = arith.constant 0 : i32
    %dma_start3A_191 = tpu.memref_slice %arg13[%dma_start3A_188, %dma_start3A_189, %dma_start3A_190] : memref<2x128x64xf32, #tpu.memory_space<vmem>> -> memref<1x128x64xf32, #tpu.memory_space<vmem>>
    %dma_start3A_192 = tpu.memref_squeeze %dma_start3A_191 : memref<1x128x64xf32, #tpu.memory_space<vmem>> -> memref<128x64xf32, #tpu.memory_space<vmem>>
    %dma_start3A_193 = arith.constant 0 : i32
    %dma_start3A_194 = tpu.memref_slice %arg11[%dma_start3A_186, %dma_start3A_187, %dma_start3A_193] : memref<2x2x128xi32, #tpu.memory_space<vmem>> -> memref<1x1x128xi32, #tpu.memory_space<vmem>>
    %dma_start3A_195 = tpu.memref_squeeze %dma_start3A_194 : memref<1x1x128xi32, #tpu.memory_space<vmem>> -> memref<128xi32, #tpu.memory_space<vmem>>
    %dma_start3A_196 = arith.constant 0 : i32
    %dma_start3A_197 = arith.constant 0 : i32
    %dma_start3A_198 = tpu.memref_slice %arg8[%dma_start3A_196, %dma_start3A_197] : memref<10112x64xf32, #tpu.memory_space<vmem_shared>> -> memref<10112x64xf32, #tpu.memory_space<vmem_shared>>
    tpu.enqueue_indirect_dma source(%dma_start3A_198 : memref<10112x64xf32, #tpu.memory_space<vmem_shared>>) target(%dma_start3A_192 : memref<128x64xf32, #tpu.memory_space<vmem>>) offsets(%dma_start3A_195 : memref<128xi32, #tpu.memory_space<vmem>>) semaphore(%arg15 : memref<!tpu.dma_semaphore, #tpu.memory_space<semaphore_mem>>)
    tpu.wait_dma2 semaphore(%arg14 : memref<!tpu.dma_semaphore, #tpu.memory_space<semaphore_mem>>) src(%arg6 : memref<2x128x64xf32, #tpu.memory_space<hbm>>) dst(%arg12 : memref<2x128x64xf32, #tpu.memory_space<vmem>>)
    %dma_start3A_199 = arith.constant 0 : i32
    %dma_start3A_200 = arith.constant 1 : i32
    %dma_start3A_201 = arith.constant 0 : i32
    %dma_start3A_202 = arith.constant 0 : i32
    %dma_start3A_203 = arith.constant 0 : i32
    %dma_start3A_204 = tpu.memref_slice %arg12[%dma_start3A_199, %dma_start3A_202, %dma_start3A_203] : memref<2x128x64xf32, #tpu.memory_space<vmem>> -> memref<1x128x64xf32, #tpu.memory_space<vmem>>
    %dma_start3A_205 = tpu.memref_squeeze %dma_start3A_204 : memref<1x128x64xf32, #tpu.memory_space<vmem>> -> memref<128x64xf32, #tpu.memory_space<vmem>>
    %dma_start3A_206 = arith.constant 0 : i32
    %dma_start3A_207 = tpu.memref_slice %arg10[%dma_start3A_200, %dma_start3A_201, %dma_start3A_206] : memref<2x2x128xi32, #tpu.memory_space<vmem>> -> memref<1x1x128xi32, #tpu.memory_space<vmem>>
    %dma_start3A_208 = tpu.memref_squeeze %dma_start3A_207 : memref<1x1x128xi32, #tpu.memory_space<vmem>> -> memref<128xi32, #tpu.memory_space<vmem>>
    %dma_start3A_209 = arith.constant 0 : i32
    %dma_start3A_210 = arith.constant 0 : i32
    %dma_start3A_211 = tpu.memref_slice %arg9[%dma_start3A_209, %dma_start3A_210] : memref<10112x64xf32, #tpu.memory_space<vmem_shared>> -> memref<10112x64xf32, #tpu.memory_space<vmem_shared>>
    tpu.enqueue_indirect_dma source(%dma_start3A_205 : memref<128x64xf32, #tpu.memory_space<vmem>>) target(%dma_start3A_211 : memref<10112x64xf32, #tpu.memory_space<vmem_shared>>) offsets(%dma_start3A_208 : memref<128xi32, #tpu.memory_space<vmem>>) semaphore(%arg16 : memref<!tpu.dma_semaphore, #tpu.memory_space<semaphore_mem>>) {add = true}
    %dma_start3A_212 = arith.constant 1 : i32
    %dma_start3A_213 = arith.constant 1 : i32
    %dma_start3A_214 = arith.constant 1 : i32
    %dma_start3A_215 = arith.constant 0 : i32
    %dma_start3A_216 = arith.constant 0 : i32
    %dma_start3A_217 = tpu.memref_slice %arg12[%dma_start3A_212, %dma_start3A_215, %dma_start3A_216] : memref<2x128x64xf32, #tpu.memory_space<vmem>> -> memref<1x128x64xf32, #tpu.memory_space<vmem>>
    %dma_start3A_218 = tpu.memref_squeeze %dma_start3A_217 : memref<1x128x64xf32, #tpu.memory_space<vmem>> -> memref<128x64xf32, #tpu.memory_space<vmem>>
    %dma_start3A_219 = arith.constant 0 : i32
    %dma_start3A_220 = tpu.memref_slice %arg10[%dma_start3A_213, %dma_start3A_214, %dma_start3A_219] : memref<2x2x128xi32, #tpu.memory_space<vmem>> -> memref<1x1x128xi32, #tpu.memory_space<vmem>>
    %dma_start3A_221 = tpu.memref_squeeze %dma_start3A_220 : memref<1x1x128xi32, #tpu.memory_space<vmem>> -> memref<128xi32, #tpu.memory_space<vmem>>
    %dma_start3A_222 = arith.constant 0 : i32
    %dma_start3A_223 = arith.constant 0 : i32
    %dma_start3A_224 = tpu.memref_slice %arg9[%dma_start3A_222, %dma_start3A_223] : memref<10112x64xf32, #tpu.memory_space<vmem_shared>> -> memref<10112x64xf32, #tpu.memory_space<vmem_shared>>
    tpu.enqueue_indirect_dma source(%dma_start3A_218 : memref<128x64xf32, #tpu.memory_space<vmem>>) target(%dma_start3A_224 : memref<10112x64xf32, #tpu.memory_space<vmem_shared>>) offsets(%dma_start3A_221 : memref<128xi32, #tpu.memory_space<vmem>>) semaphore(%arg16 : memref<!tpu.dma_semaphore, #tpu.memory_space<semaphore_mem>>) {add = true}
    tpu.wait_dma2 semaphore(%arg16 : memref<!tpu.dma_semaphore, #tpu.memory_space<semaphore_mem>>) src(%arg6 : memref<2x128x64xf32, #tpu.memory_space<hbm>>) dst(%arg12 : memref<2x128x64xf32, #tpu.memory_space<vmem>>)
    %add3A_225 = arith.constant 2 : i32
    %add3A_226 = arith.addi %mul3A_144, %add3A_225 : i32
    "tpu.region"() ({
      %run_scoped3A = tpu.sem_alloc : memref<!tpu.dma_semaphore, #tpu.memory_space<semaphore_mem>>
      %dma_start3A_293 = arith.constant 0 : i32
      %dma_start3A_294 = arith.constant 0 : i32
      %dma_start3A_295 = arith.constant 0 : i32
      %dma_start3A_296 = tpu.memref_slice %arg4[%add3A_226, %dma_start3A_293, %dma_start3A_294, %dma_start3A_295] : memref<1280x2x2x128xi32, #tpu.memory_space<hbm>> -> memref<1x2x2x128xi32, #tpu.memory_space<hbm>>
      %dma_start3A_297 = tpu.memref_squeeze %dma_start3A_296 : memref<1x2x2x128xi32, #tpu.memory_space<hbm>> -> memref<2x2x128xi32, #tpu.memory_space<hbm>>
      %dma_start3A_298 = arith.constant 0 : i32
      %dma_start3A_299 = arith.constant 0 : i32
      %dma_start3A_300 = arith.constant 0 : i32
      %dma_start3A_301 = tpu.memref_slice %arg4[%add3A_226, %dma_start3A_298, %dma_start3A_299, %dma_start3A_300] : memref<1280x2x2x128xi32, #tpu.memory_space<hbm>> -> memref<1x2x2x128xi32, #tpu.memory_space<hbm>>
      %dma_start3A_302 = tpu.memref_squeeze %dma_start3A_301 : memref<1x2x2x128xi32, #tpu.memory_space<hbm>> -> memref<2x2x128xi32, #tpu.memory_space<hbm>>
      tpu.enqueue_dma source(%dma_start3A_302 : memref<2x2x128xi32, #tpu.memory_space<hbm>>) target(%arg10 : memref<2x2x128xi32, #tpu.memory_space<vmem>>) target_semaphore(%run_scoped3A : memref<!tpu.dma_semaphore, #tpu.memory_space<semaphore_mem>>)
      %dma_wait3A = arith.constant 0 : i32
      %dma_wait3A_303 = arith.constant 0 : i32
      %dma_wait3A_304 = arith.constant 0 : i32
      %dma_wait3A_305 = tpu.memref_slice %arg4[%add3A_226, %dma_wait3A, %dma_wait3A_303, %dma_wait3A_304] : memref<1280x2x2x128xi32, #tpu.memory_space<hbm>> -> memref<1x2x2x128xi32, #tpu.memory_space<hbm>>
      %dma_wait3A_306 = tpu.memref_squeeze %dma_wait3A_305 : memref<1x2x2x128xi32, #tpu.memory_space<hbm>> -> memref<2x2x128xi32, #tpu.memory_space<hbm>>
      %dma_wait3A_307 = arith.constant 0 : i32
      %dma_wait3A_308 = arith.constant 0 : i32
      %dma_wait3A_309 = arith.constant 0 : i32
      %dma_wait3A_310 = tpu.memref_slice %arg4[%add3A_226, %dma_wait3A_307, %dma_wait3A_308, %dma_wait3A_309] : memref<1280x2x2x128xi32, #tpu.memory_space<hbm>> -> memref<1x2x2x128xi32, #tpu.memory_space<hbm>>
      %dma_wait3A_311 = tpu.memref_squeeze %dma_wait3A_310 : memref<1x2x2x128xi32, #tpu.memory_space<hbm>> -> memref<2x2x128xi32, #tpu.memory_space<hbm>>
      tpu.wait_dma2 semaphore(%run_scoped3A : memref<!tpu.dma_semaphore, #tpu.memory_space<semaphore_mem>>) src(%dma_wait3A_311 : memref<2x2x128xi32, #tpu.memory_space<hbm>>) dst(%arg10 : memref<2x2x128xi32, #tpu.memory_space<vmem>>)
      tpu.yield
    }) : () -> ()
    %dma_start3A_227 = arith.constant 0 : i32
    %dma_start3A_228 = arith.constant 0 : i32
    %dma_start3A_229 = arith.constant 0 : i32
    %dma_start3A_230 = arith.constant 0 : i32
    %dma_start3A_231 = arith.constant 0 : i32
    %dma_start3A_232 = tpu.memref_slice %arg12[%dma_start3A_229, %dma_start3A_230, %dma_start3A_231] : memref<2x128x64xf32, #tpu.memory_space<vmem>> -> memref<1x128x64xf32, #tpu.memory_space<vmem>>
    %dma_start3A_233 = tpu.memref_squeeze %dma_start3A_232 : memref<1x128x64xf32, #tpu.memory_space<vmem>> -> memref<128x64xf32, #tpu.memory_space<vmem>>
    %dma_start3A_234 = arith.constant 0 : i32
    %dma_start3A_235 = tpu.memref_slice %arg10[%dma_start3A_227, %dma_start3A_228, %dma_start3A_234] : memref<2x2x128xi32, #tpu.memory_space<vmem>> -> memref<1x1x128xi32, #tpu.memory_space<vmem>>
    %dma_start3A_236 = tpu.memref_squeeze %dma_start3A_235 : memref<1x1x128xi32, #tpu.memory_space<vmem>> -> memref<128xi32, #tpu.memory_space<vmem>>
    %dma_start3A_237 = arith.constant 0 : i32
    %dma_start3A_238 = arith.constant 0 : i32
    %dma_start3A_239 = tpu.memref_slice %arg8[%dma_start3A_237, %dma_start3A_238] : memref<10112x64xf32, #tpu.memory_space<vmem_shared>> -> memref<10112x64xf32, #tpu.memory_space<vmem_shared>>
    tpu.enqueue_indirect_dma source(%dma_start3A_239 : memref<10112x64xf32, #tpu.memory_space<vmem_shared>>) target(%dma_start3A_233 : memref<128x64xf32, #tpu.memory_space<vmem>>) offsets(%dma_start3A_236 : memref<128xi32, #tpu.memory_space<vmem>>) semaphore(%arg14 : memref<!tpu.dma_semaphore, #tpu.memory_space<semaphore_mem>>)
    %dma_start3A_240 = arith.constant 0 : i32
    %dma_start3A_241 = arith.constant 1 : i32
    %dma_start3A_242 = arith.constant 1 : i32
    %dma_start3A_243 = arith.constant 0 : i32
    %dma_start3A_244 = arith.constant 0 : i32
    %dma_start3A_245 = tpu.memref_slice %arg12[%dma_start3A_242, %dma_start3A_243, %dma_start3A_244] : memref<2x128x64xf32, #tpu.memory_space<vmem>> -> memref<1x128x64xf32, #tpu.memory_space<vmem>>
    %dma_start3A_246 = tpu.memref_squeeze %dma_start3A_245 : memref<1x128x64xf32, #tpu.memory_space<vmem>> -> memref<128x64xf32, #tpu.memory_space<vmem>>
    %dma_start3A_247 = arith.constant 0 : i32
    %dma_start3A_248 = tpu.memref_slice %arg10[%dma_start3A_240, %dma_start3A_241, %dma_start3A_247] : memref<2x2x128xi32, #tpu.memory_space<vmem>> -> memref<1x1x128xi32, #tpu.memory_space<vmem>>
    %dma_start3A_249 = tpu.memref_squeeze %dma_start3A_248 : memref<1x1x128xi32, #tpu.memory_space<vmem>> -> memref<128xi32, #tpu.memory_space<vmem>>
    %dma_start3A_250 = arith.constant 0 : i32
    %dma_start3A_251 = arith.constant 0 : i32
    %dma_start3A_252 = tpu.memref_slice %arg8[%dma_start3A_250, %dma_start3A_251] : memref<10112x64xf32, #tpu.memory_space<vmem_shared>> -> memref<10112x64xf32, #tpu.memory_space<vmem_shared>>
    tpu.enqueue_indirect_dma source(%dma_start3A_252 : memref<10112x64xf32, #tpu.memory_space<vmem_shared>>) target(%dma_start3A_246 : memref<128x64xf32, #tpu.memory_space<vmem>>) offsets(%dma_start3A_249 : memref<128xi32, #tpu.memory_space<vmem>>) semaphore(%arg14 : memref<!tpu.dma_semaphore, #tpu.memory_space<semaphore_mem>>)
    tpu.wait_dma2 semaphore(%arg15 : memref<!tpu.dma_semaphore, #tpu.memory_space<semaphore_mem>>) src(%arg6 : memref<2x128x64xf32, #tpu.memory_space<hbm>>) dst(%arg12 : memref<2x128x64xf32, #tpu.memory_space<vmem>>)
    %dma_start3A_253 = arith.constant 0 : i32
    %dma_start3A_254 = arith.constant 1 : i32
    %dma_start3A_255 = arith.constant 0 : i32
    %dma_start3A_256 = arith.constant 0 : i32
    %dma_start3A_257 = arith.constant 0 : i32
    %dma_start3A_258 = tpu.memref_slice %arg13[%dma_start3A_253, %dma_start3A_256, %dma_start3A_257] : memref<2x128x64xf32, #tpu.memory_space<vmem>> -> memref<1x128x64xf32, #tpu.memory_space<vmem>>
    %dma_start3A_259 = tpu.memref_squeeze %dma_start3A_258 : memref<1x128x64xf32, #tpu.memory_space<vmem>> -> memref<128x64xf32, #tpu.memory_space<vmem>>
    %dma_start3A_260 = arith.constant 0 : i32
    %dma_start3A_261 = tpu.memref_slice %arg11[%dma_start3A_254, %dma_start3A_255, %dma_start3A_260] : memref<2x2x128xi32, #tpu.memory_space<vmem>> -> memref<1x1x128xi32, #tpu.memory_space<vmem>>
    %dma_start3A_262 = tpu.memref_squeeze %dma_start3A_261 : memref<1x1x128xi32, #tpu.memory_space<vmem>> -> memref<128xi32, #tpu.memory_space<vmem>>
    %dma_start3A_263 = arith.constant 0 : i32
    %dma_start3A_264 = arith.constant 0 : i32
    %dma_start3A_265 = tpu.memref_slice %arg9[%dma_start3A_263, %dma_start3A_264] : memref<10112x64xf32, #tpu.memory_space<vmem_shared>> -> memref<10112x64xf32, #tpu.memory_space<vmem_shared>>
    tpu.enqueue_indirect_dma source(%dma_start3A_259 : memref<128x64xf32, #tpu.memory_space<vmem>>) target(%dma_start3A_265 : memref<10112x64xf32, #tpu.memory_space<vmem_shared>>) offsets(%dma_start3A_262 : memref<128xi32, #tpu.memory_space<vmem>>) semaphore(%arg17 : memref<!tpu.dma_semaphore, #tpu.memory_space<semaphore_mem>>) {add = true}
    %dma_start3A_266 = arith.constant 1 : i32
    %dma_start3A_267 = arith.constant 1 : i32
    %dma_start3A_268 = arith.constant 1 : i32
    %dma_start3A_269 = arith.constant 0 : i32
    %dma_start3A_270 = arith.constant 0 : i32
    %dma_start3A_271 = tpu.memref_slice %arg13[%dma_start3A_266, %dma_start3A_269, %dma_start3A_270] : memref<2x128x64xf32, #tpu.memory_space<vmem>> -> memref<1x128x64xf32, #tpu.memory_space<vmem>>
    %dma_start3A_272 = tpu.memref_squeeze %dma_start3A_271 : memref<1x128x64xf32, #tpu.memory_space<vmem>> -> memref<128x64xf32, #tpu.memory_space<vmem>>
    %dma_start3A_273 = arith.constant 0 : i32
    %dma_start3A_274 = tpu.memref_slice %arg11[%dma_start3A_267, %dma_start3A_268, %dma_start3A_273] : memref<2x2x128xi32, #tpu.memory_space<vmem>> -> memref<1x1x128xi32, #tpu.memory_space<vmem>>
    %dma_start3A_275 = tpu.memref_squeeze %dma_start3A_274 : memref<1x1x128xi32, #tpu.memory_space<vmem>> -> memref<128xi32, #tpu.memory_space<vmem>>
    %dma_start3A_276 = arith.constant 0 : i32
    %dma_start3A_277 = arith.constant 0 : i32
    %dma_start3A_278 = tpu.memref_slice %arg9[%dma_start3A_276, %dma_start3A_277] : memref<10112x64xf32, #tpu.memory_space<vmem_shared>> -> memref<10112x64xf32, #tpu.memory_space<vmem_shared>>
    tpu.enqueue_indirect_dma source(%dma_start3A_272 : memref<128x64xf32, #tpu.memory_space<vmem>>) target(%dma_start3A_278 : memref<10112x64xf32, #tpu.memory_space<vmem_shared>>) offsets(%dma_start3A_275 : memref<128xi32, #tpu.memory_space<vmem>>) semaphore(%arg17 : memref<!tpu.dma_semaphore, #tpu.memory_space<semaphore_mem>>) {add = true}
    %scan3A_279 = arith.constant 0 : i32
    %scan3A_280 = arith.constant 1 : i32
    %scan3A_281 = arith.constant 39 : i32
    %scan3A_282 = arith.addi %scan3A_280, %scan3A_281 : i32
    %scan3A_283 = arith.constant 1 : i32
    scf.for %scan3A_293 = %scan3A_280 to %scan3A_282 step %scan3A_283  : i32 {
      %mul3A_294 = arith.constant 2 : i32
      %mul3A_295 = arith.muli %mul3A_294, %scan3A_293 : i32
      %add3A_296 = arith.addi %mul3A_144, %mul3A_295 : i32
      tpu.wait_dma2 semaphore(%arg17 : memref<!tpu.dma_semaphore, #tpu.memory_space<semaphore_mem>>) src(%arg6 : memref<2x128x64xf32, #tpu.memory_space<hbm>>) dst(%arg12 : memref<2x128x64xf32, #tpu.memory_space<vmem>>)
      %add3A_297 = arith.constant 1 : i32
      %add3A_298 = arith.addi %add3A_296, %add3A_297 : i32
      "tpu.region"() ({
        %run_scoped3A = tpu.sem_alloc : memref<!tpu.dma_semaphore, #tpu.memory_space<semaphore_mem>>
        %dma_start3A_379 = arith.constant 0 : i32
        %dma_start3A_380 = arith.constant 0 : i32
        %dma_start3A_381 = arith.constant 0 : i32
        %dma_start3A_382 = tpu.memref_slice %arg4[%add3A_298, %dma_start3A_379, %dma_start3A_380, %dma_start3A_381] : memref<1280x2x2x128xi32, #tpu.memory_space<hbm>> -> memref<1x2x2x128xi32, #tpu.memory_space<hbm>>
        %dma_start3A_383 = tpu.memref_squeeze %dma_start3A_382 : memref<1x2x2x128xi32, #tpu.memory_space<hbm>> -> memref<2x2x128xi32, #tpu.memory_space<hbm>>
        %dma_start3A_384 = arith.constant 0 : i32
        %dma_start3A_385 = arith.constant 0 : i32
        %dma_start3A_386 = arith.constant 0 : i32
        %dma_start3A_387 = tpu.memref_slice %arg4[%add3A_298, %dma_start3A_384, %dma_start3A_385, %dma_start3A_386] : memref<1280x2x2x128xi32, #tpu.memory_space<hbm>> -> memref<1x2x2x128xi32, #tpu.memory_space<hbm>>
        %dma_start3A_388 = tpu.memref_squeeze %dma_start3A_387 : memref<1x2x2x128xi32, #tpu.memory_space<hbm>> -> memref<2x2x128xi32, #tpu.memory_space<hbm>>
        tpu.enqueue_dma source(%dma_start3A_388 : memref<2x2x128xi32, #tpu.memory_space<hbm>>) target(%arg11 : memref<2x2x128xi32, #tpu.memory_space<vmem>>) target_semaphore(%run_scoped3A : memref<!tpu.dma_semaphore, #tpu.memory_space<semaphore_mem>>)
        %dma_wait3A = arith.constant 0 : i32
        %dma_wait3A_389 = arith.constant 0 : i32
        %dma_wait3A_390 = arith.constant 0 : i32
        %dma_wait3A_391 = tpu.memref_slice %arg4[%add3A_298, %dma_wait3A, %dma_wait3A_389, %dma_wait3A_390] : memref<1280x2x2x128xi32, #tpu.memory_space<hbm>> -> memref<1x2x2x128xi32, #tpu.memory_space<hbm>>
        %dma_wait3A_392 = tpu.memref_squeeze %dma_wait3A_391 : memref<1x2x2x128xi32, #tpu.memory_space<hbm>> -> memref<2x2x128xi32, #tpu.memory_space<hbm>>
        %dma_wait3A_393 = arith.constant 0 : i32
        %dma_wait3A_394 = arith.constant 0 : i32
        %dma_wait3A_395 = arith.constant 0 : i32
        %dma_wait3A_396 = tpu.memref_slice %arg4[%add3A_298, %dma_wait3A_393, %dma_wait3A_394, %dma_wait3A_395] : memref<1280x2x2x128xi32, #tpu.memory_space<hbm>> -> memref<1x2x2x128xi32, #tpu.memory_space<hbm>>
        %dma_wait3A_397 = tpu.memref_squeeze %dma_wait3A_396 : memref<1x2x2x128xi32, #tpu.memory_space<hbm>> -> memref<2x2x128xi32, #tpu.memory_space<hbm>>
        tpu.wait_dma2 semaphore(%run_scoped3A : memref<!tpu.dma_semaphore, #tpu.memory_space<semaphore_mem>>) src(%dma_wait3A_397 : memref<2x2x128xi32, #tpu.memory_space<hbm>>) dst(%arg11 : memref<2x2x128xi32, #tpu.memory_space<vmem>>)
        tpu.yield
      }) : () -> ()
      %dma_start3A_299 = arith.constant 0 : i32
      %dma_start3A_300 = arith.constant 0 : i32
      %dma_start3A_301 = arith.constant 0 : i32
      %dma_start3A_302 = arith.constant 0 : i32
      %dma_start3A_303 = arith.constant 0 : i32
      %dma_start3A_304 = tpu.memref_slice %arg13[%dma_start3A_301, %dma_start3A_302, %dma_start3A_303] : memref<2x128x64xf32, #tpu.memory_space<vmem>> -> memref<1x128x64xf32, #tpu.memory_space<vmem>>
      %dma_start3A_305 = tpu.memref_squeeze %dma_start3A_304 : memref<1x128x64xf32, #tpu.memory_space<vmem>> -> memref<128x64xf32, #tpu.memory_space<vmem>>
      %dma_start3A_306 = arith.constant 0 : i32
      %dma_start3A_307 = tpu.memref_slice %arg11[%dma_start3A_299, %dma_start3A_300, %dma_start3A_306] : memref<2x2x128xi32, #tpu.memory_space<vmem>> -> memref<1x1x128xi32, #tpu.memory_space<vmem>>
      %dma_start3A_308 = tpu.memref_squeeze %dma_start3A_307 : memref<1x1x128xi32, #tpu.memory_space<vmem>> -> memref<128xi32, #tpu.memory_space<vmem>>
      %dma_start3A_309 = arith.constant 0 : i32
      %dma_start3A_310 = arith.constant 0 : i32
      %dma_start3A_311 = tpu.memref_slice %arg8[%dma_start3A_309, %dma_start3A_310] : memref<10112x64xf32, #tpu.memory_space<vmem_shared>> -> memref<10112x64xf32, #tpu.memory_space<vmem_shared>>
      tpu.enqueue_indirect_dma source(%dma_start3A_311 : memref<10112x64xf32, #tpu.memory_space<vmem_shared>>) target(%dma_start3A_305 : memref<128x64xf32, #tpu.memory_space<vmem>>) offsets(%dma_start3A_308 : memref<128xi32, #tpu.memory_space<vmem>>) semaphore(%arg15 : memref<!tpu.dma_semaphore, #tpu.memory_space<semaphore_mem>>)
      %dma_start3A_312 = arith.constant 0 : i32
      %dma_start3A_313 = arith.constant 1 : i32
      %dma_start3A_314 = arith.constant 1 : i32
      %dma_start3A_315 = arith.constant 0 : i32
      %dma_start3A_316 = arith.constant 0 : i32
      %dma_start3A_317 = tpu.memref_slice %arg13[%dma_start3A_314, %dma_start3A_315, %dma_start3A_316] : memref<2x128x64xf32, #tpu.memory_space<vmem>> -> memref<1x128x64xf32, #tpu.memory_space<vmem>>
      %dma_start3A_318 = tpu.memref_squeeze %dma_start3A_317 : memref<1x128x64xf32, #tpu.memory_space<vmem>> -> memref<128x64xf32, #tpu.memory_space<vmem>>
      %dma_start3A_319 = arith.constant 0 : i32
      %dma_start3A_320 = tpu.memref_slice %arg11[%dma_start3A_312, %dma_start3A_313, %dma_start3A_319] : memref<2x2x128xi32, #tpu.memory_space<vmem>> -> memref<1x1x128xi32, #tpu.memory_space<vmem>>
      %dma_start3A_321 = tpu.memref_squeeze %dma_start3A_320 : memref<1x1x128xi32, #tpu.memory_space<vmem>> -> memref<128xi32, #tpu.memory_space<vmem>>
      %dma_start3A_322 = arith.constant 0 : i32
      %dma_start3A_323 = arith.constant 0 : i32
      %dma_start3A_324 = tpu.memref_slice %arg8[%dma_start3A_322, %dma_start3A_323] : memref<10112x64xf32, #tpu.memory_space<vmem_shared>> -> memref<10112x64xf32, #tpu.memory_space<vmem_shared>>
      tpu.enqueue_indirect_dma source(%dma_start3A_324 : memref<10112x64xf32, #tpu.memory_space<vmem_shared>>) target(%dma_start3A_318 : memref<128x64xf32, #tpu.memory_space<vmem>>) offsets(%dma_start3A_321 : memref<128xi32, #tpu.memory_space<vmem>>) semaphore(%arg15 : memref<!tpu.dma_semaphore, #tpu.memory_space<semaphore_mem>>)
      tpu.wait_dma2 semaphore(%arg14 : memref<!tpu.dma_semaphore, #tpu.memory_space<semaphore_mem>>) src(%arg6 : memref<2x128x64xf32, #tpu.memory_space<hbm>>) dst(%arg12 : memref<2x128x64xf32, #tpu.memory_space<vmem>>)
      %dma_start3A_325 = arith.constant 0 : i32
      %dma_start3A_326 = arith.constant 1 : i32
      %dma_start3A_327 = arith.constant 0 : i32
      %dma_start3A_328 = arith.constant 0 : i32
      %dma_start3A_329 = arith.constant 0 : i32
      %dma_start3A_330 = tpu.memref_slice %arg12[%dma_start3A_325, %dma_start3A_328, %dma_start3A_329] : memref<2x128x64xf32, #tpu.memory_space<vmem>> -> memref<1x128x64xf32, #tpu.memory_space<vmem>>
      %dma_start3A_331 = tpu.memref_squeeze %dma_start3A_330 : memref<1x128x64xf32, #tpu.memory_space<vmem>> -> memref<128x64xf32, #tpu.memory_space<vmem>>
      %dma_start3A_332 = arith.constant 0 : i32
      %dma_start3A_333 = tpu.memref_slice %arg10[%dma_start3A_326, %dma_start3A_327, %dma_start3A_332] : memref<2x2x128xi32, #tpu.memory_space<vmem>> -> memref<1x1x128xi32, #tpu.memory_space<vmem>>
      %dma_start3A_334 = tpu.memref_squeeze %dma_start3A_333 : memref<1x1x128xi32, #tpu.memory_space<vmem>> -> memref<128xi32, #tpu.memory_space<vmem>>
      %dma_start3A_335 = arith.constant 0 : i32
      %dma_start3A_336 = arith.constant 0 : i32
      %dma_start3A_337 = tpu.memref_slice %arg9[%dma_start3A_335, %dma_start3A_336] : memref<10112x64xf32, #tpu.memory_space<vmem_shared>> -> memref<10112x64xf32, #tpu.memory_space<vmem_shared>>
      tpu.enqueue_indirect_dma source(%dma_start3A_331 : memref<128x64xf32, #tpu.memory_space<vmem>>) target(%dma_start3A_337 : memref<10112x64xf32, #tpu.memory_space<vmem_shared>>) offsets(%dma_start3A_334 : memref<128xi32, #tpu.memory_space<vmem>>) semaphore(%arg16 : memref<!tpu.dma_semaphore, #tpu.memory_space<semaphore_mem>>) {add = true}
      %dma_start3A_338 = arith.constant 1 : i32
      %dma_start3A_339 = arith.constant 1 : i32
      %dma_start3A_340 = arith.constant 1 : i32
      %dma_start3A_341 = arith.constant 0 : i32
      %dma_start3A_342 = arith.constant 0 : i32
      %dma_start3A_343 = tpu.memref_slice %arg12[%dma_start3A_338, %dma_start3A_341, %dma_start3A_342] : memref<2x128x64xf32, #tpu.memory_space<vmem>> -> memref<1x128x64xf32, #tpu.memory_space<vmem>>
      %dma_start3A_344 = tpu.memref_squeeze %dma_start3A_343 : memref<1x128x64xf32, #tpu.memory_space<vmem>> -> memref<128x64xf32, #tpu.memory_space<vmem>>
      %dma_start3A_345 = arith.constant 0 : i32
      %dma_start3A_346 = tpu.memref_slice %arg10[%dma_start3A_339, %dma_start3A_340, %dma_start3A_345] : memref<2x2x128xi32, #tpu.memory_space<vmem>> -> memref<1x1x128xi32, #tpu.memory_space<vmem>>
      %dma_start3A_347 = tpu.memref_squeeze %dma_start3A_346 : memref<1x1x128xi32, #tpu.memory_space<vmem>> -> memref<128xi32, #tpu.memory_space<vmem>>
      %dma_start3A_348 = arith.constant 0 : i32
      %dma_start3A_349 = arith.constant 0 : i32
      %dma_start3A_350 = tpu.memref_slice %arg9[%dma_start3A_348, %dma_start3A_349] : memref<10112x64xf32, #tpu.memory_space<vmem_shared>> -> memref<10112x64xf32, #tpu.memory_space<vmem_shared>>
      tpu.enqueue_indirect_dma source(%dma_start3A_344 : memref<128x64xf32, #tpu.memory_space<vmem>>) target(%dma_start3A_350 : memref<10112x64xf32, #tpu.memory_space<vmem_shared>>) offsets(%dma_start3A_347 : memref<128xi32, #tpu.memory_space<vmem>>) semaphore(%arg16 : memref<!tpu.dma_semaphore, #tpu.memory_space<semaphore_mem>>) {add = true}
      tpu.wait_dma2 semaphore(%arg16 : memref<!tpu.dma_semaphore, #tpu.memory_space<semaphore_mem>>) src(%arg6 : memref<2x128x64xf32, #tpu.memory_space<hbm>>) dst(%arg12 : memref<2x128x64xf32, #tpu.memory_space<vmem>>)
      %lt3A = arith.constant 39 : i32
      %lt3A_351 = arith.cmpi slt, %scan3A_293, %lt3A : i32
      %convert_element_type3A = arith.extui %lt3A_351 : i1 to i32
      %cond3A = arith.constant 0 : i32
      %cond3A_352 = arith.cmpi ne, %convert_element_type3A, %cond3A : i32
      scf.if %cond3A_352 {
        %add3A_379 = arith.constant 2 : i32
        %add3A_380 = arith.addi %add3A_296, %add3A_379 : i32
        "tpu.region"() ({
          %run_scoped3A = tpu.sem_alloc : memref<!tpu.dma_semaphore, #tpu.memory_space<semaphore_mem>>
          %dma_start3A_407 = arith.constant 0 : i32
          %dma_start3A_408 = arith.constant 0 : i32
          %dma_start3A_409 = arith.constant 0 : i32
          %dma_start3A_410 = tpu.memref_slice %arg4[%add3A_380, %dma_start3A_407, %dma_start3A_408, %dma_start3A_409] : memref<1280x2x2x128xi32, #tpu.memory_space<hbm>> -> memref<1x2x2x128xi32, #tpu.memory_space<hbm>>
          %dma_start3A_411 = tpu.memref_squeeze %dma_start3A_410 : memref<1x2x2x128xi32, #tpu.memory_space<hbm>> -> memref<2x2x128xi32, #tpu.memory_space<hbm>>
          %dma_start3A_412 = arith.constant 0 : i32
          %dma_start3A_413 = arith.constant 0 : i32
          %dma_start3A_414 = arith.constant 0 : i32
          %dma_start3A_415 = tpu.memref_slice %arg4[%add3A_380, %dma_start3A_412, %dma_start3A_413, %dma_start3A_414] : memref<1280x2x2x128xi32, #tpu.memory_space<hbm>> -> memref<1x2x2x128xi32, #tpu.memory_space<hbm>>
          %dma_start3A_416 = tpu.memref_squeeze %dma_start3A_415 : memref<1x2x2x128xi32, #tpu.memory_space<hbm>> -> memref<2x2x128xi32, #tpu.memory_space<hbm>>
          tpu.enqueue_dma source(%dma_start3A_416 : memref<2x2x128xi32, #tpu.memory_space<hbm>>) target(%arg10 : memref<2x2x128xi32, #tpu.memory_space<vmem>>) target_semaphore(%run_scoped3A : memref<!tpu.dma_semaphore, #tpu.memory_space<semaphore_mem>>)
          %dma_wait3A = arith.constant 0 : i32
          %dma_wait3A_417 = arith.constant 0 : i32
          %dma_wait3A_418 = arith.constant 0 : i32
          %dma_wait3A_419 = tpu.memref_slice %arg4[%add3A_380, %dma_wait3A, %dma_wait3A_417, %dma_wait3A_418] : memref<1280x2x2x128xi32, #tpu.memory_space<hbm>> -> memref<1x2x2x128xi32, #tpu.memory_space<hbm>>
          %dma_wait3A_420 = tpu.memref_squeeze %dma_wait3A_419 : memref<1x2x2x128xi32, #tpu.memory_space<hbm>> -> memref<2x2x128xi32, #tpu.memory_space<hbm>>
          %dma_wait3A_421 = arith.constant 0 : i32
          %dma_wait3A_422 = arith.constant 0 : i32
          %dma_wait3A_423 = arith.constant 0 : i32
          %dma_wait3A_424 = tpu.memref_slice %arg4[%add3A_380, %dma_wait3A_421, %dma_wait3A_422, %dma_wait3A_423] : memref<1280x2x2x128xi32, #tpu.memory_space<hbm>> -> memref<1x2x2x128xi32, #tpu.memory_space<hbm>>
          %dma_wait3A_425 = tpu.memref_squeeze %dma_wait3A_424 : memref<1x2x2x128xi32, #tpu.memory_space<hbm>> -> memref<2x2x128xi32, #tpu.memory_space<hbm>>
          tpu.wait_dma2 semaphore(%run_scoped3A : memref<!tpu.dma_semaphore, #tpu.memory_space<semaphore_mem>>) src(%dma_wait3A_425 : memref<2x2x128xi32, #tpu.memory_space<hbm>>) dst(%arg10 : memref<2x2x128xi32, #tpu.memory_space<vmem>>)
          tpu.yield
        }) : () -> ()
        %dma_start3A_381 = arith.constant 0 : i32
        %dma_start3A_382 = arith.constant 0 : i32
        %dma_start3A_383 = arith.constant 0 : i32
        %dma_start3A_384 = arith.constant 0 : i32
        %dma_start3A_385 = arith.constant 0 : i32
        %dma_start3A_386 = tpu.memref_slice %arg12[%dma_start3A_383, %dma_start3A_384, %dma_start3A_385] : memref<2x128x64xf32, #tpu.memory_space<vmem>> -> memref<1x128x64xf32, #tpu.memory_space<vmem>>
        %dma_start3A_387 = tpu.memref_squeeze %dma_start3A_386 : memref<1x128x64xf32, #tpu.memory_space<vmem>> -> memref<128x64xf32, #tpu.memory_space<vmem>>
        %dma_start3A_388 = arith.constant 0 : i32
        %dma_start3A_389 = tpu.memref_slice %arg10[%dma_start3A_381, %dma_start3A_382, %dma_start3A_388] : memref<2x2x128xi32, #tpu.memory_space<vmem>> -> memref<1x1x128xi32, #tpu.memory_space<vmem>>
        %dma_start3A_390 = tpu.memref_squeeze %dma_start3A_389 : memref<1x1x128xi32, #tpu.memory_space<vmem>> -> memref<128xi32, #tpu.memory_space<vmem>>
        %dma_start3A_391 = arith.constant 0 : i32
        %dma_start3A_392 = arith.constant 0 : i32
        %dma_start3A_393 = tpu.memref_slice %arg8[%dma_start3A_391, %dma_start3A_392] : memref<10112x64xf32, #tpu.memory_space<vmem_shared>> -> memref<10112x64xf32, #tpu.memory_space<vmem_shared>>
        tpu.enqueue_indirect_dma source(%dma_start3A_393 : memref<10112x64xf32, #tpu.memory_space<vmem_shared>>) target(%dma_start3A_387 : memref<128x64xf32, #tpu.memory_space<vmem>>) offsets(%dma_start3A_390 : memref<128xi32, #tpu.memory_space<vmem>>) semaphore(%arg14 : memref<!tpu.dma_semaphore, #tpu.memory_space<semaphore_mem>>)
        %dma_start3A_394 = arith.constant 0 : i32
        %dma_start3A_395 = arith.constant 1 : i32
        %dma_start3A_396 = arith.constant 1 : i32
        %dma_start3A_397 = arith.constant 0 : i32
        %dma_start3A_398 = arith.constant 0 : i32
        %dma_start3A_399 = tpu.memref_slice %arg12[%dma_start3A_396, %dma_start3A_397, %dma_start3A_398] : memref<2x128x64xf32, #tpu.memory_space<vmem>> -> memref<1x128x64xf32, #tpu.memory_space<vmem>>
        %dma_start3A_400 = tpu.memref_squeeze %dma_start3A_399 : memref<1x128x64xf32, #tpu.memory_space<vmem>> -> memref<128x64xf32, #tpu.memory_space<vmem>>
        %dma_start3A_401 = arith.constant 0 : i32
        %dma_start3A_402 = tpu.memref_slice %arg10[%dma_start3A_394, %dma_start3A_395, %dma_start3A_401] : memref<2x2x128xi32, #tpu.memory_space<vmem>> -> memref<1x1x128xi32, #tpu.memory_space<vmem>>
        %dma_start3A_403 = tpu.memref_squeeze %dma_start3A_402 : memref<1x1x128xi32, #tpu.memory_space<vmem>> -> memref<128xi32, #tpu.memory_space<vmem>>
        %dma_start3A_404 = arith.constant 0 : i32
        %dma_start3A_405 = arith.constant 0 : i32
        %dma_start3A_406 = tpu.memref_slice %arg8[%dma_start3A_404, %dma_start3A_405] : memref<10112x64xf32, #tpu.memory_space<vmem_shared>> -> memref<10112x64xf32, #tpu.memory_space<vmem_shared>>
        tpu.enqueue_indirect_dma source(%dma_start3A_406 : memref<10112x64xf32, #tpu.memory_space<vmem_shared>>) target(%dma_start3A_400 : memref<128x64xf32, #tpu.memory_space<vmem>>) offsets(%dma_start3A_403 : memref<128xi32, #tpu.memory_space<vmem>>) semaphore(%arg14 : memref<!tpu.dma_semaphore, #tpu.memory_space<semaphore_mem>>)
      } else {
      }
      tpu.wait_dma2 semaphore(%arg15 : memref<!tpu.dma_semaphore, #tpu.memory_space<semaphore_mem>>) src(%arg6 : memref<2x128x64xf32, #tpu.memory_space<hbm>>) dst(%arg12 : memref<2x128x64xf32, #tpu.memory_space<vmem>>)
      %dma_start3A_353 = arith.constant 0 : i32
      %dma_start3A_354 = arith.constant 1 : i32
      %dma_start3A_355 = arith.constant 0 : i32
      %dma_start3A_356 = arith.constant 0 : i32
      %dma_start3A_357 = arith.constant 0 : i32
      %dma_start3A_358 = tpu.memref_slice %arg13[%dma_start3A_353, %dma_start3A_356, %dma_start3A_357] : memref<2x128x64xf32, #tpu.memory_space<vmem>> -> memref<1x128x64xf32, #tpu.memory_space<vmem>>
      %dma_start3A_359 = tpu.memref_squeeze %dma_start3A_358 : memref<1x128x64xf32, #tpu.memory_space<vmem>> -> memref<128x64xf32, #tpu.memory_space<vmem>>
      %dma_start3A_360 = arith.constant 0 : i32
      %dma_start3A_361 = tpu.memref_slice %arg11[%dma_start3A_354, %dma_start3A_355, %dma_start3A_360] : memref<2x2x128xi32, #tpu.memory_space<vmem>> -> memref<1x1x128xi32, #tpu.memory_space<vmem>>
      %dma_start3A_362 = tpu.memref_squeeze %dma_start3A_361 : memref<1x1x128xi32, #tpu.memory_space<vmem>> -> memref<128xi32, #tpu.memory_space<vmem>>
      %dma_start3A_363 = arith.constant 0 : i32
      %dma_start3A_364 = arith.constant 0 : i32
      %dma_start3A_365 = tpu.memref_slice %arg9[%dma_start3A_363, %dma_start3A_364] : memref<10112x64xf32, #tpu.memory_space<vmem_shared>> -> memref<10112x64xf32, #tpu.memory_space<vmem_shared>>
      tpu.enqueue_indirect_dma source(%dma_start3A_359 : memref<128x64xf32, #tpu.memory_space<vmem>>) target(%dma_start3A_365 : memref<10112x64xf32, #tpu.memory_space<vmem_shared>>) offsets(%dma_start3A_362 : memref<128xi32, #tpu.memory_space<vmem>>) semaphore(%arg17 : memref<!tpu.dma_semaphore, #tpu.memory_space<semaphore_mem>>) {add = true}
      %dma_start3A_366 = arith.constant 1 : i32
      %dma_start3A_367 = arith.constant 1 : i32
      %dma_start3A_368 = arith.constant 1 : i32
      %dma_start3A_369 = arith.constant 0 : i32
      %dma_start3A_370 = arith.constant 0 : i32
      %dma_start3A_371 = tpu.memref_slice %arg13[%dma_start3A_366, %dma_start3A_369, %dma_start3A_370] : memref<2x128x64xf32, #tpu.memory_space<vmem>> -> memref<1x128x64xf32, #tpu.memory_space<vmem>>
      %dma_start3A_372 = tpu.memref_squeeze %dma_start3A_371 : memref<1x128x64xf32, #tpu.memory_space<vmem>> -> memref<128x64xf32, #tpu.memory_space<vmem>>
      %dma_start3A_373 = arith.constant 0 : i32
      %dma_start3A_374 = tpu.memref_slice %arg11[%dma_start3A_367, %dma_start3A_368, %dma_start3A_373] : memref<2x2x128xi32, #tpu.memory_space<vmem>> -> memref<1x1x128xi32, #tpu.memory_space<vmem>>
      %dma_start3A_375 = tpu.memref_squeeze %dma_start3A_374 : memref<1x1x128xi32, #tpu.memory_space<vmem>> -> memref<128xi32, #tpu.memory_space<vmem>>
      %dma_start3A_376 = arith.constant 0 : i32
      %dma_start3A_377 = arith.constant 0 : i32
      %dma_start3A_378 = tpu.memref_slice %arg9[%dma_start3A_376, %dma_start3A_377] : memref<10112x64xf32, #tpu.memory_space<vmem_shared>> -> memref<10112x64xf32, #tpu.memory_space<vmem_shared>>
      tpu.enqueue_indirect_dma source(%dma_start3A_372 : memref<128x64xf32, #tpu.memory_space<vmem>>) target(%dma_start3A_378 : memref<10112x64xf32, #tpu.memory_space<vmem_shared>>) offsets(%dma_start3A_375 : memref<128xi32, #tpu.memory_space<vmem>>) semaphore(%arg17 : memref<!tpu.dma_semaphore, #tpu.memory_space<semaphore_mem>>) {add = true}
    }
    %scan3A_284 = arith.constant 39 : i32
    tpu.wait_dma2 semaphore(%arg17 : memref<!tpu.dma_semaphore, #tpu.memory_space<semaphore_mem>>) src(%arg6 : memref<2x128x64xf32, #tpu.memory_space<hbm>>) dst(%arg12 : memref<2x128x64xf32, #tpu.memory_space<vmem>>)
    %barrier3A_285 = arith.constant 0 : index
    tpu.barrier barrier_id(%barrier3A_285)
    %mul3A_286 = arith.constant 632 : i32
    %mul3A_287 = arith.muli %arg1, %mul3A_286 : i32
    %mul3A_288 = arith.constant 10112 : i32
    %mul3A_289 = arith.muli %arg0, %mul3A_288 : i32
    %mul3A_290 = arith.constant 632 : i32
    %mul3A_291 = arith.muli %arg1, %mul3A_290 : i32
    %add3A_292 = arith.addi %mul3A_289, %mul3A_291 : i32
    "tpu.region"() ({
      %run_scoped3A = tpu.sem_alloc : memref<!tpu.dma_semaphore, #tpu.memory_space<semaphore_mem>>
      %dma_start3A_293 = arith.constant 0 : i32
      %dma_start3A_294 = tpu.memref_slice %arg7[%add3A_292, %dma_start3A_293] : memref<20224x64xf32, #tpu.memory_space<hbm>> -> memref<632x64xf32, #tpu.memory_space<hbm>>
      %dma_start3A_295 = arith.constant 0 : i32
      %dma_start3A_296 = tpu.memref_slice %arg9[%mul3A_287, %dma_start3A_295] : memref<10112x64xf32, #tpu.memory_space<vmem_shared>> -> memref<632x64xf32, #tpu.memory_space<vmem_shared>>
      tpu.enqueue_dma source(%dma_start3A_296 : memref<632x64xf32, #tpu.memory_space<vmem_shared>>) target(%dma_start3A_294 : memref<632x64xf32, #tpu.memory_space<hbm>>) target_semaphore(%run_scoped3A : memref<!tpu.dma_semaphore, #tpu.memory_space<semaphore_mem>>)
      %dma_wait3A = arith.constant 0 : i32
      %dma_wait3A_297 = tpu.memref_slice %arg7[%add3A_292, %dma_wait3A] : memref<20224x64xf32, #tpu.memory_space<hbm>> -> memref<632x64xf32, #tpu.memory_space<hbm>>
      %dma_wait3A_298 = arith.constant 0 : i32
      %dma_wait3A_299 = tpu.memref_slice %arg9[%mul3A_287, %dma_wait3A_298] : memref<10112x64xf32, #tpu.memory_space<vmem_shared>> -> memref<632x64xf32, #tpu.memory_space<vmem_shared>>
      tpu.wait_dma2 semaphore(%run_scoped3A : memref<!tpu.dma_semaphore, #tpu.memory_space<semaphore_mem>>) src(%dma_wait3A_299 : memref<632x64xf32, #tpu.memory_space<vmem_shared>>) dst(%dma_wait3A_297 : memref<632x64xf32, #tpu.memory_space<hbm>>)
      tpu.yield
    }) : () -> ()
    return
  }
}

</mosaic_0001>

<sc_bundles>
// kernel: kernel.3.cloned.1.call-start
scs
__scs_entry_jumppad:
0x0: {  	(pc) =	sbr.rel $0x88, $3  }
0x1: {  	(tag) =	ssettag $0x0;
	lr =	simm.s32 $0x1  }
0x2: {  	[smem:$0x3F9E] =	sst lr;
	_ =	strace $0xD0000000  }
0x3: {  	_ = 	snop  }
0x4: {  	_ = 	snop  }
0x5: {  	_ = 	snop  }
0x6: {  	_ = 	snop  }
0x7: {  	_ = 	snop  }
__scs_overlays_trampoline_lowered:
0x8: {  	[smem:$0x3FAD] =	sst s0  }
0x9: {  	[smem:$0x3FAE] =	sst s1  }
0xa: {  	[smem:$0x3FAF] =	sst s2  }
0xb: {  	[smem:$0x3FB0] =	sst s3  }
0xc: {  	[smem:$0x3FB1] =	sst s4  }
0xd: {  	[smem:$0x3FB2] =	sst s5  }
0xe: {  	[smem:$0x3FB3] =	sst s6  }
0xf: {  	[smem:$0x3FB4] =	sst s7  }
0x10: {  	[smem:$0x3FB5] =	sst s8  }
0x11: {  	[smem:$0x3FB6] =	sst s9;
	s0 =	simm.s32 @!p0 $0x0  }
0x12: {  	s1 =	sld [smem:$0x3F9C];
	s0 =	simm.s32 @p0 $0x1  }
0x13: {  	[smem:$0x3FB7] =	sst s0;
	s0 =	simm.s32 @!p1 $0x0  }
0x14: {  	s2 =	sld [smem:$0x3F9B];
	s0 =	simm.s32 @p1 $0x1  }
0x15: {  	[smem:$0x3FB8] =	sst s0;
	s0 =	simm.s32 @!p2 $0x0  }
0x16: {  	s3 =	sld [smem:$0x3FDB];
	s0 =	simm.s32 @p2 $0x1  }
0x17: {  	s4 =	simm.s32 $0x1BF5;
	[smem:$0x3FBA] =	sst s0  }
0x18: {  	s0 =	sld [smem:$0x3F9D];
	_ =	swait.ge [sflag:s4], $0x0  }
0x19: {  	s7 =	sld [smem:$0x3F9E]  }
0x1a: {  	s8 =	sadd.s32 $0xFFFFE003, lr  }
0x1b: {  	s9 =	sadd.s32 $0xFFFFFEF7, lr;
	s5 =	simm.s32 $0xFFFFFFFF;
	p2 =	slt.u32 s8, $0xFFFFF086  }
0x1c: {  	p1 =	slt.u32 s9, $0xF7A;
	s5 =	simm.s32 @!p2 $0x0  }
0x1d: {  	s5 =	simm.s32 @p1 $0x1;
	p0 =	seq.s32 s7, s2  }
0x1e: {  	s7 =	smul.u32 @!p0 $0xF7A, s2;
	p2 =	seq.s32 @!p0 s5, $0x0  }
0x1f: {  	s9 =	smul.u32 $0xF7A, s1;
	s8 =	simm.s32 @!p0 $0x1BF5;
	p2 =	por !p2, p0  }
0x20: {  	[sflag:s8] =	ssyncset.s32 @!p0 $0xFFFFF086;
	s6 =	sadd.s32 @!p0 s3, s7;
	s7 =	simm.s32 @!p0 $0x108  }
0x21: {  	s3 =	sadd.s32 s3, s9;
	s6 =	sadd.s32 @!p0 $0x88, s6;
	s7 =	simm.s32 @p2 $0x1082  }
0x22: {  	[simem:s7], [sflag:s8] =	dma.local @!p0 [hbm:s6], $0xF7A  }
0x23: {  	s9 =	sor.u32 $0xD0000000, s2;
	s6 =	simm.s32 $0x108;
	_ =	swait.ge @!p0 [sflag:s8], $0x0  }
0x24: {  	s3 =	sadd.s32 $0x88, s3;
	s6 =	simm.s32 @!p1 $0x1082;
	[sflag:s4] =	ssyncset.s32 $0xFFFFF086  }
0x25: {  	[simem:s6], [sflag:s4] =	dma.local [hbm:s3], $0xF7A  }
0x26: {  	[smem:$0x3F9E] =	sst s1;
	(tag) =	ssettag s2;
	_ =	strace s9  }
0x27: {  	s1 =	sld [smem:$0x3FAE]  }
0x28: {  	s2 =	sld [smem:$0x3FAF]  }
0x29: {  	s4 =	sld [smem:$0x3FB1]  }
0x2a: {  	p0 =	seq.s32 s5, $0x0;
	s5 =	sld [smem:$0x3FB2]  }
0x2b: {  	s6 =	sld [smem:$0x3FB3]  }
0x2c: {  	s7 =	sld [smem:$0x3FB4]  }
0x2d: {  	s3 =	simm.s32 $0x108;
	s8 =	sld [smem:$0x3FB5]  }
0x2e: {  	s3 =	simm.s32 @!p0 $0x1082;
	s9 =	sld [smem:$0x3FB6]  }
0x2f: {  	lr =	sadd.s32 s0, s3;
	s0 =	sld [smem:$0x3FAD]  }
0x30: {  	s3 =	sld [smem:$0x3FB0]  }
0x31: {  	[smem:$0x3FB9] =	sst s10  }
0x32: {  	s10 =	sld [smem:$0x3FB7];
	_ =	sdelay $0x3  }
0x33: {  	p0 =	seq.s32 s10, $0x1;
	s10 =	sld [smem:$0x3FB9];
	_ =	sdelay $0x3  }
0x34: {  	[smem:$0x3FB9] =	sst s10  }
0x35: {  	s10 =	sld [smem:$0x3FB8];
	_ =	sdelay $0x3  }
0x36: {  	p1 =	seq.s32 s10, $0x1;
	s10 =	sld [smem:$0x3FB9];
	_ =	sdelay $0x3  }
0x37: {  	[smem:$0x3FB9] =	sst s10  }
0x38: {  	s10 =	sld [smem:$0x3FBA]  }
0x39: {  	_ = 	snop;
	(pc) =	sbr.ind lr, $3  }
0x3a: {  	_ = 	snop  }
0x3b: {  	_ = 	snop  }
0x3c: {  	p2 =	seq.s32 s10, $0x1;
	s10 =	sld [smem:$0x3FB9]  }
0x3d: {  	_ =	shalt  }
0x3e: {  	_ =	shalt  }
0x3f: {  	_ =	shalt  }
0x40: {  	_ =	shalt  }
0x41: {  	_ =	shalt  }
0x42: {  	_ =	shalt  }
0x43: {  	_ =	shalt  }
0x44: {  	_ =	shalt  }
0x45: {  	_ =	shalt  }
0x46: {  	_ =	shalt  }
0x47: {  	_ =	shalt  }
0x48: {  	_ =	shalt  }
0x49: {  	_ =	shalt  }
0x4a: {  	_ =	shalt  }
0x4b: {  	_ =	shalt  }
0x4c: {  	_ =	shalt  }
0x4d: {  	_ =	shalt  }
0x4e: {  	_ =	shalt  }
0x4f: {  	_ =	shalt  }
0x50: {  	_ =	shalt  }
0x51: {  	_ =	shalt  }
0x52: {  	_ =	shalt  }
0x53: {  	_ =	shalt  }
0x54: {  	_ =	shalt  }
0x55: {  	_ =	shalt  }
0x56: {  	_ =	shalt  }
0x57: {  	_ =	shalt  }
0x58: {  	_ =	shalt  }
0x59: {  	_ =	shalt  }
0x5a: {  	_ =	shalt  }
0x5b: {  	_ =	shalt  }
0x5c: {  	_ =	shalt  }
0x5d: {  	_ =	shalt  }
0x5e: {  	_ =	shalt  }
0x5f: {  	_ =	shalt  }
0x60: {  	_ =	shalt  }
0x61: {  	_ =	shalt  }
0x62: {  	_ =	shalt  }
0x63: {  	_ =	shalt  }
0x64: {  	_ =	shalt  }
0x65: {  	_ =	shalt  }
0x66: {  	_ =	shalt  }
0x67: {  	_ =	shalt  }
0x68: {  	_ =	shalt  }
0x69: {  	_ =	shalt  }
0x6a: {  	_ =	shalt  }
0x6b: {  	_ =	shalt  }
0x6c: {  	_ =	shalt  }
0x6d: {  	_ =	shalt  }
0x6e: {  	_ =	shalt  }
0x6f: {  	_ =	shalt  }
0x70: {  	_ =	shalt  }
0x71: {  	_ =	shalt  }
0x72: {  	_ =	shalt  }
0x73: {  	_ =	shalt  }
0x74: {  	_ =	shalt  }
0x75: {  	_ =	shalt  }
0x76: {  	_ =	shalt  }
0x77: {  	_ =	shalt  }
0x78: {  	_ =	shalt  }
0x79: {  	_ =	shalt  }
0x7a: {  	_ =	shalt  }
0x7b: {  	_ =	shalt  }
0x7c: {  	_ =	shalt  }
0x7d: {  	_ =	shalt  }
0x7e: {  	_ =	shalt  }
0x7f: {  	_ =	shalt  }
0x80: {  	_ =	shalt  }
0x81: {  	_ =	shalt  }
0x82: {  	_ =	shalt  }
0x83: {  	_ =	shalt  }
0x84: {  	_ =	shalt  }
0x85: {  	_ =	shalt  }
0x86: {  	_ =	shalt  }
0x87: {  	_ =	shalt  }
.Lfunc_end0:
.L_simem_size_0:
called_computation_lowered:
.L_overlay_start_0:
0x88: {  	s2 =	sld [smem:$0x3FD9]  }
0x89: {  	s3 =	sld [smem:$0x3FFE];
	_ =	sdelay $0x1  }
0x8a: {  	s1 =	srdreg.scid  }
0x8b: {  	s0 =	sand.u32 $0x1, s1  }
0x8c: {  	s17 =	sshll.u32 s0, $0xA;
	s2 =	sadd.s32 s3, s2  }
0x8d: {  	s2 =	sadd.s32 s2, s17  }
0x8e: {  	[smem:$0x3FC5] =	sst s2  }
0x8f: {  	_ = 	snop  }
0x90: {  	s2 =	sld [smem:$0x3FD0];
	(tm) =	ssettm $0x1  }
0x91: {  	s18 =	sld [smem:$0x3FFB];
	_ =	sdelay $0x3  }
0x92: {  	_ =	strace s18  }
0x93: {  	s3 =	sld [smem:$0x3FFC];
	_ =	sdelay $0x3  }
0x94: {  	_ =	strace s3  }
0x95: {  	s3 =	sld [smem:$0x3FFD];
	_ =	sdelay $0x3  }
0x96: {  	_ =	strace s3  }
0x97: {  	_ =	strace $0x8FFFFFFF  }
0x98: {  	s19 =	sld [smem:$0x3FDB];
	_ =	sdelay $0x1  }
0x99: {  	s4 =	simm.s32 $_scs_section_size  }
0x9a: {  	s5 =	simm.s32 $_size__tile_overlayer_lowered;
	s6 =	simm.s32 $_tile_overlayer_lowered  }
0x9b: {  	s22 =	simm.s32 $0x1BFF;
	s21 =	sshll.u32 s6, $0x1;
	s3 =	sadd.s32 s4, s19  }
0x9c: {  	s7 =	simm.s32 $0x0;
	s20 =	sshll.u32 s5, $0x1;
	s5 =	sadd.s32 s21, s3  }
0x9d: {  	[timem:s7], [sflag:s22] =	dma.local [hbm:s5], s20  }
0x9e: {  	_ =	swait.ge [sflag:s22], s20  }
0x9f: {  	s4 =	ssub.s32 $0x0, s20;
	[sflag:s22] =	ssyncset.done $0x0  }
0xa0: {  	[sflag:s22] =	ssyncadd.s32 s4;
	_ =	sdelay $0x1  }
0xa1: {  	s23 =	simm.s32 $0x1B8B  }
0xa2: {  	_ =	swait.ge [sflag:s23], $0x1  }
0xa3: {  	[sflag:s23] =	ssyncset.done $0x0  }
0xa4: {  	s25 =	simm.s32 $0x1B8E;
	s24 =	sld [smem:$0x3FFE];
	[sflag:s23] =	ssyncadd.s32 $0xFFFFFFFF  }
0xa5: {  	s26 =	simm.s32 $execute0_lowered;
	[smem:$0x3FD2] =	sst s25  }
0xa6: {  	s5 =	sshll.u32 s26, $0x1;
	_ =	strace $0x80000046;
	[dreg:$0x1] =	wrdreg $0xFFFFFFFF  }
0xa7: {  	s28 =	simm.s32 $_size_execute0_lowered;
	s3 =	sadd.s32 s3, s5;
	[dreg:$0x0] =	wrdreg $0x0  }
0xa8: {  	s5 =	sshll.u32 s28, $0x1;
	[dreg:$0x2] =	wrdreg s3  }
0xa9: {  	[dreg:$0x3] =	wrdreg s5  }
0xaa: {  	[dreg:$0x4] =	wrdreg $0xC0  }
0xab: {  	_ =	task [dreg:s7], $0x5FFFF  }
0xac: {  	[dreg:$0x1] =	wrdreg $0xFFFFFFFF  }
0xad: {  	[dreg:$0x0] =	wrdreg $0x60  }
0xae: {  	[dreg:$0x2] =	wrdreg s24  }
0xaf: {  	[dreg:$0x3] =	wrdreg s2  }
0xb0: {  	[dreg:$0x4] =	wrdreg $0x0  }
0xb1: {  	[dreg:$0x5] =	wrdreg $0x9E000  }
0xb2: {  	[dreg:$0x6] =	wrdreg $0x9  }
0xb3: {  	_ =	task.clear_ibuf [dreg:s7], $0x7FFFF;
	_ =	strace $0x90000046  }
0xb4: {  	s29 =	simm.s32 $0x9;
	_ =	strace $0x80000048  }
0xb5: {  	_ =	swait.ge [sflag:s29], $0x1  }
0xb6: {  	[sflag:s29] =	ssyncadd.s32 $0xFFFFFFFF  }
0xb7: {  	_ =	strace $0x90000048  }
0xb8: {  	_ =	sfence  }
0xb9: {  	s30 =	sld [smem:$0x0];
	_ =	sdelay $0x2  }
0xba: {  	s31 =	sshll.u32 s1, $0xD;
	s1 =	sshrl.u32 s1, $0x2  }
0xbb: {  	s3 =	sand.u32 $0x4000, s31;
	s1 =	sadd.s32 s1, s30  }
0xbc: {  	s0 =	sor.u32 s3, s0;
	s1 =	sshll.u32 s1, $0x11  }
0xbd: {  	s0 =	sor.u32 s1, s0  }
0xbe: {  	s0 =	sadd.s32 $0x8F2B, s0  }
0xbf: {  	[sflag:s0] =	ssyncadd.remote.s32 $0x1  }
0xc0: {  	_ =	sfence.sel $0xFFFF  }
0xc1: {  	[dreg:$0x0] =	wrdreg $0xFFFFFFFF;
	(pc) =	sbr.abs _section_cstart, $3  }
0xc2: {  	[dreg:$0x1] =	wrdreg $0xFFFFFFFF  }
0xc3: {  	_ =	task.clear_ibuf [dreg:s7], $0x2FFFF;
	_ =	strace $0x9FFFFFFF  }
0xc4: {  	(tm) =	ssettm $0x7FFFFFFF  }
0xc5: {  	_ =	shalt  }
tec
execute0_lowered:
.L_overlay_start_1:
0x0: {  	(tag) =	ssettag $0x1  }
0x1: {  	s1 =	rddreg [dreg:$0x0]  }
0x2: {  	s0 =	rddreg [dreg:$0x1]  }
0x3: {  	s3 =	rddreg [dreg:$0x2]  }
0x4: {  	s2 =	srdreg.scid;
	s6 =	stileid.u32  }
0x5: {  	s4 =	rddreg [dreg:$0x3];
	s7 =	smul.u32 $0x13C0, s6  }
0x6: {  	s5 =	simm.s32 $0x0;
	s28 =	simm.s32 $0x16000;
	s11 =	smul.u32 $0xA000, s6  }
0x7: {  	s29 =	simm.s32 $0x13E00;
	s30 =	simm.s32 $0x18000;
	s15 =	smul.u32 $0x9E00, s6  }
0x8: {  	s31 =	simm.s32 $0x13E80;
	s2 =	sand.u32 $0x1, s2;
	s17 =	smul.u32 $0x1400, s6  }
0x9: {  	[smem:$0x7FF] =	sst s5;
	s10 =	sadd.s32 $0x27800, s1;
	s8 =	smul.u32 $0x13C00, s2  }
0xa: {  	s12 =	sadd.s32 $0x4F800, s1;
	s9 =	smul.u32 $0xA0000, s2;
	_ =	strace $0x80000047  }
0xb: {  	[dreg:$0x5] =	wrdreg s12;
	s2 =	ssub.s32 $0x2, s2;
	s12 =	simm.s32 $0x13F80  }
0xc: {  	s22 =	sshrl.u32 s2, $0x1;
	s13 =	sor.u32 $0x200, s11;
	s16 =	sor.u32 $0x400, s11  }
0xd: {  	s26 =	sadd.s32 s15, s4;
	s17 =	sadd.s32 s17, s0;
	s7 =	sadd.s32 s7, s8  }
0xe: {  	s23 =	sadd.s32 s11, s9;
	s2 =	ssub.s32 s2, s22;
	s14 =	sadd.s32 s9, s13  }
0xf: {  	s9 =	sadd.s32 s9, s16;
	[dreg:$0x8] =	wrdreg s26;
	s11 =	sshrl.u32 s11, $0x3  }
0x10: {  	s13 =	sshrl.u32 s13, $0x3;
	s7 =	sadd.s32 s7, s1;
	s24 =	sshrl.u32 s23, $0x3  }
0x11: {  	s25 =	sshrl.u32 s14, $0x3;
	s9 =	sshrl.u32 s9, $0x3;
	s14 =	sshrl.u32 s16, $0x3  }
0x12: {  	s16 =	sadd.s32 $0x9E00, s23;
	s2 =	smax.u32 s2, $0x1;
	s21 =	sor.u32 $0x800, s23  }
0x13: {  	s23 =	sor.u32 $0x600, s23;
	s8 =	sadd.s32 s10, s24;
	s9 =	sadd.s32 s10, s9  }
0x14: {  	s18 =	sadd.s32 $0x51400, s7;
	s19 =	sshrl.u32 s16, $0x3;
	[dreg:$0xe] =	wrdreg s2  }
0x15: {  	s22 =	sshrl.u32 s21, $0x3;
	s24 =	sadd.s32 $0x13C0, s17;
	[dreg:$0x6] =	wrdreg s8  }
0x16: {  	s21 =	simm.s32 $0x13C00;
	s2 =	simm.s32 $0x1A000;
	[dreg:$0x9] =	wrdreg s9  }
0x17: {  	s7 =	simm.s32 $0x13D00;
	s8 =	sadd.s32 s10, s25;
	[dreg:$0xd] =	wrdreg s18  }
0x18: {  	s9 =	sadd.s32 s0, s11;
	s20 =	sadd.s32 s10, s19;
	[dreg:$0x10] =	wrdreg s24  }
0x19: {  	s19 =	sadd.s32 s22, s10;
	s25 =	sshrl.u32 s23, $0x3;
	s22 =	simm.s32 $0x5  }
0x1a: {  	s23 =	simm.s32 $0x80;
	s24 =	simm.s32 $0x14000;
	[dreg:$0x7] =	wrdreg s8  }
0x1b: {  	s11 =	simm.s32 $0x13F00;
	s8 =	sadd.s32 s15, s3;
	[dreg:$0xa] =	wrdreg s9  }
0x1c: {  	s9 =	sadd.s32 s0, s13;
	s15 =	sadd.s32 s0, s14;
	[dreg:$0xf] =	wrdreg s20  }
0x1d: {  	s20 =	sadd.s32 s25, s10;
	s0 =	simm.s32 $0x1;
	s10 =	simm.s32 $0x2  }
0x1e: {  	s13 =	simm.s32 $0x4;
	s14 =	simm.s32 $0x0;
	[dreg:$0xb] =	wrdreg s9  }
0x1f: {  	[dreg:$0xc] =	wrdreg s15;
	s26 =	sshrl.u32 s8, $0x3;
	s8 =	simm.s32 $0x13D80  }
0x20: {  	s9 =	simm.s32 $0x3;
	[dreg:$0x11] =	wrdreg s26;
	s26 =	simm.s32 $0x13C80  }
.LBB2_1:
0x21: {  	s6 =	rddreg [dreg:$0x6]  }
0x22: {  	[tilespmem:s21], [sflag:$0x5] =	stream.linear.gather [hbm4b:s6+s5], $0x200, $0x38;
	[tilespmem:$0x1C000] =	vst v63  }
0x23: {  	_ =	swait.ge [sflag:s22], $0x200  }
0x24: {  	[sflag:s22] =	ssyncset.done $0x0  }
0x25: {  	[sflag:s22] =	ssyncadd.s32 $0xFFFFFE00  }
0x26: {  	[tilespmem:s24], [sflag:$0x1] =	stream.indirect.gather [hbm4b:s1+s23], $0x40, s21, s23, $0xb8;
	[tilespmem:$0x1C000] =	vst v63  }
0x27: {  	_ = 	snop  }
0x28: {  	[tilespmem:s28], [sflag:$0x1] =	stream.indirect.gather [hbm4b:s1+s23], $0x40, s26, s23, $0xb8;
	[tilespmem:$0x1C000] =	vst v63  }
0x29: {  	s15 =	rddreg [dreg:$0x7]  }
0x2a: {  	[tilespmem:s29], [sflag:$0x5] =	stream.linear.gather [hbm4b:s15+s5], $0x200, $0x38;
	[tilespmem:$0x1C000] =	vst v63  }
0x2b: {  	_ =	swait.ge [sflag:s22], $0x200  }
0x2c: {  	s16 =	stileid.u32;
	[sflag:s22] =	ssyncset.done $0x0  }
0x2d: {  	s15 =	sshll.u32 s16, $0x6;
	s18 =	rddreg [dreg:$0x5];
	[sflag:s22] =	ssyncadd.s32 $0xFFFFFE00  }
0x2e: {  	[tilespmem:s30], [sflag:$0x2] =	stream.indirect.gather [hbm4b:s1+s23], $0x40, s29, s23, $0xb8;
	[tilespmem:$0x1C000] =	vst v63  }
0x2f: {  	s15 =	sor.u32 $0x1C05, s15;
	s16 =	rddreg [dreg:$0x11]  }
0x30: {  	[tilespmem:s2], [sflag:$0x2] =	stream.indirect.gather [hbm4b:s1+s23], $0x40, s31, s23, $0xb8;
	[tilespmem:$0x1C000] =	vst v63  }
0x31: {  	[spmem:s16], [sflag:s15] =	dma.local [hbm:s18], $0x13C0  }
0x32: {  	_ =	swait.ge [sflag:s22], $0x13C0  }
0x33: {  	[sflag:s22] =	ssyncset.done $0x0;
	s25 =	rddreg [dreg:$0x8]  }
0x34: {  	[sflag:s22] =	ssyncadd.s32 $0xFFFFEC40;
	s16 =	sshrl.u32 s25, $0x3  }
0x35: {  	[spmem:s16], [sflag:s15] =	dma.local [hbm:s18], $0x13C0  }
0x36: {  	_ =	swait.ge [sflag:s22], $0x13C0  }
0x37: {  	[sflag:s22] =	ssyncset.done $0x0  }
0x38: {  	[sflag:s22] =	ssyncadd.s32 $0xFFFFEC40  }
0x39: {  	[bflag:$0x0] =	sbarrier.arrive $0xFFFF  }
0x3a: {  	_ =	swait.ge [sflag:s0], $0x4000  }
0x3b: {  	[sflag:s0] =	ssyncset.done $0x0  }
0x3c: {  	[sflag:s0] =	ssyncadd.s32 $0xFFFFC000  }
0x3d: {  	[spmem:s3] =	stream.indirect.scatter.add.f32 [tilespmem:s24], [sflag:$0x3], $0x40, s7, s23, $0xb8;
	[tilespmem:$0x1C000] =	vst v63  }
0x3e: {  	_ = 	snop  }
0x3f: {  	[spmem:s3] =	stream.indirect.scatter.add.f32 [tilespmem:s28], [sflag:$0x3], $0x40, s8, s23, $0xb8;
	[tilespmem:$0x1C000] =	vst v63  }
0x40: {  	_ =	swait.ge [sflag:s9], $0x4000  }
0x41: {  	[sflag:s9] =	ssyncset.done $0x0  }
0x42: {  	s18 =	rddreg [dreg:$0x9];
	[sflag:s9] =	ssyncadd.s32 $0xFFFFC000  }
0x43: {  	[tilespmem:s21], [sflag:$0x5] =	stream.linear.gather [hbm4b:s18+s5], $0x200, $0x38;
	[tilespmem:$0x1C000] =	vst v63  }
0x44: {  	_ =	swait.ge [sflag:s22], $0x200  }
0x45: {  	[sflag:s22] =	ssyncset.done $0x0  }
0x46: {  	[sflag:s22] =	ssyncadd.s32 $0xFFFFFE00  }
0x47: {  	[tilespmem:s24], [sflag:$0x1] =	stream.indirect.gather [hbm4b:s1+s23], $0x40, s21, s23, $0xb8;
	[tilespmem:$0x1C000] =	vst v63  }
0x48: {  	_ = 	snop  }
0x49: {  	[tilespmem:s28], [sflag:$0x1] =	stream.indirect.gather [hbm4b:s1+s23], $0x40, s26, s23, $0xb8;
	[tilespmem:$0x1C000] =	vst v63  }
0x4a: {  	_ =	swait.ge [sflag:s10], $0x4000  }
0x4b: {  	[sflag:s10] =	ssyncset.done $0x0  }
0x4c: {  	[sflag:s10] =	ssyncadd.s32 $0xFFFFC000  }
0x4d: {  	[spmem:s3] =	stream.indirect.scatter.add.f32 [tilespmem:s30], [sflag:$0x4], $0x40, s11, s23, $0xb8;
	[tilespmem:$0x1C000] =	vst v63  }
0x4e: {  	_ = 	snop  }
0x4f: {  	[spmem:s3] =	stream.indirect.scatter.add.f32 [tilespmem:s2], [sflag:$0x4], $0x40, s12, s23, $0xb8;
	[tilespmem:$0x1C000] =	vst v63  }
0x50: {  	_ =	swait.ge [sflag:s13], $0x4000  }
0x51: {  	[sflag:s13] =	ssyncset.done $0x0  }
0x52: {  	s18 =	sadd.s32 $0x0, s20;
	[sflag:s13] =	ssyncadd.s32 $0xFFFFC000  }
0x53: {  	[tilespmem:s29], [sflag:$0x5] =	stream.linear.gather [hbm4b:s18+s5], $0x200, $0x38;
	[tilespmem:$0x1C000] =	vst v63  }
0x54: {  	_ =	swait.ge [sflag:s22], $0x200  }
0x55: {  	[sflag:s22] =	ssyncset.done $0x0  }
0x56: {  	[sflag:s22] =	ssyncadd.s32 $0xFFFFFE00  }
0x57: {  	[tilespmem:s30], [sflag:$0x2] =	stream.indirect.gather [hbm4b:s1+s23], $0x40, s29, s23, $0xb8;
	[tilespmem:$0x1C000] =	vst v63  }
0x58: {  	_ = 	snop  }
0x59: {  	[tilespmem:s2], [sflag:$0x2] =	stream.indirect.gather [hbm4b:s1+s23], $0x40, s31, s23, $0xb8;
	[tilespmem:$0x1C000] =	vst v63  }
0x5a: {  	_ =	swait.ge [sflag:s0], $0x4000  }
0x5b: {  	[sflag:s0] =	ssyncset.done $0x0  }
0x5c: {  	[sflag:s0] =	ssyncadd.s32 $0xFFFFC000  }
0x5d: {  	[spmem:s3] =	stream.indirect.scatter.add.f32 [tilespmem:s24], [sflag:$0x3], $0x40, s7, s23, $0xb8;
	[tilespmem:$0x1C000] =	vst v63  }
0x5e: {  	_ = 	snop  }
0x5f: {  	[spmem:s3] =	stream.indirect.scatter.add.f32 [tilespmem:s28], [sflag:$0x3], $0x40, s8, s23, $0xb8;
	[tilespmem:$0x1C000] =	vst v63  }
0x60: {  	_ =	swait.ge [sflag:s9], $0x4000  }
0x61: {  	[sflag:s9] =	ssyncset.done $0x0  }
0x62: {  	s25 =	sadd.s32 $0x0, s19;
	[sflag:s9] =	ssyncadd.s32 $0xFFFFC000  }
0x63: {  	[tilespmem:s21], [sflag:$0x5] =	stream.linear.gather [hbm4b:s25+s5], $0x200, $0x38;
	[tilespmem:$0x1C000] =	vst v63  }
0x64: {  	_ =	swait.ge [sflag:s22], $0x200  }
0x65: {  	[sflag:s22] =	ssyncset.done $0x0  }
0x66: {  	[sflag:s22] =	ssyncadd.s32 $0xFFFFFE00  }
0x67: {  	[tilespmem:s24], [sflag:$0x1] =	stream.indirect.gather [hbm4b:s1+s23], $0x40, s21, s23, $0xb8;
	[tilespmem:$0x1C000] =	vst v63  }
0x68: {  	_ = 	snop  }
0x69: {  	[tilespmem:s28], [sflag:$0x1] =	stream.indirect.gather [hbm4b:s1+s23], $0x40, s26, s23, $0xb8;
	[tilespmem:$0x1C000] =	vst v63  }
0x6a: {  	_ =	swait.ge [sflag:s10], $0x4000  }
0x6b: {  	[sflag:s10] =	ssyncset.done $0x0  }
0x6c: {  	s18 =	simm.s32 $0x80;
	[sflag:s10] =	ssyncadd.s32 $0xFFFFC000  }
0x6d: {  	[spmem:s3] =	stream.indirect.scatter.add.f32 [tilespmem:s30], [sflag:$0x4], $0x40, s11, s23, $0xb8;
	[tilespmem:$0x1C000] =	vst v63  }
.LBB2_2:
0x6e: {  	[spmem:s3] =	stream.indirect.scatter.add.f32 [tilespmem:s2], [sflag:$0x4], $0x40, s12, s23, $0xb8;
	[tilespmem:$0x1C000] =	vst v63  }
0x6f: {  	s25 =	smov.u32 s18  }
0x70: {  	p0 =	sne.s32 s18, $0x1280;
	s18 =	sadd.s32 $0x80, s18;
	_ =	swait.ge [sflag:s13], $0x4000  }
0x71: {  	[sflag:s13] =	ssyncset.done $0x0  }
0x72: {  	s6 =	sadd.s32 s25, s20;
	[sflag:s13] =	ssyncadd.s32 $0xFFFFC000  }
0x73: {  	[tilespmem:s29], [sflag:$0x5] =	stream.linear.gather [hbm4b:s6+s5], $0x200, $0x38;
	[tilespmem:$0x1C000] =	vst v63  }
0x74: {  	_ =	swait.ge [sflag:s22], $0x200  }
0x75: {  	[sflag:s22] =	ssyncset.done $0x0  }
0x76: {  	[sflag:s22] =	ssyncadd.s32 $0xFFFFFE00  }
0x77: {  	[tilespmem:s30], [sflag:$0x2] =	stream.indirect.gather [hbm4b:s1+s23], $0x40, s29, s23, $0xb8;
	[tilespmem:$0x1C000] =	vst v63  }
0x78: {  	_ = 	snop  }
0x79: {  	[tilespmem:s2], [sflag:$0x2] =	stream.indirect.gather [hbm4b:s1+s23], $0x40, s31, s23, $0xb8;
	[tilespmem:$0x1C000] =	vst v63  }
0x7a: {  	_ =	swait.ge [sflag:s0], $0x4000  }
0x7b: {  	[sflag:s0] =	ssyncset.done $0x0  }
0x7c: {  	[sflag:s0] =	ssyncadd.s32 $0xFFFFC000  }
0x7d: {  	[spmem:s3] =	stream.indirect.scatter.add.f32 [tilespmem:s24], [sflag:$0x3], $0x40, s7, s23, $0xb8;
	[tilespmem:$0x1C000] =	vst v63  }
0x7e: {  	_ = 	snop  }
0x7f: {  	[spmem:s3] =	stream.indirect.scatter.add.f32 [tilespmem:s28], [sflag:$0x3], $0x40, s8, s23, $0xb8;
	[tilespmem:$0x1C000] =	vst v63  }
0x80: {  	_ =	swait.ge [sflag:s9], $0x4000  }
0x81: {  	[sflag:s9] =	ssyncset.done $0x0  }
0x82: {  	s6 =	sadd.s32 s25, s19;
	[sflag:s9] =	ssyncadd.s32 $0xFFFFC000  }
0x83: {  	[tilespmem:s21], [sflag:$0x5] =	stream.linear.gather [hbm4b:s6+s5], $0x200, $0x38;
	[tilespmem:$0x1C000] =	vst v63  }
0x84: {  	_ =	swait.ge [sflag:s22], $0x200  }
0x85: {  	[sflag:s22] =	ssyncset.done $0x0  }
0x86: {  	[sflag:s22] =	ssyncadd.s32 $0xFFFFFE00  }
0x87: {  	[tilespmem:s24], [sflag:$0x1] =	stream.indirect.gather [hbm4b:s1+s23], $0x40, s21, s23, $0xb8;
	[tilespmem:$0x1C000] =	vst v63  }
0x88: {  	_ = 	snop  }
0x89: {  	[tilespmem:s28], [sflag:$0x1] =	stream.indirect.gather [hbm4b:s1+s23], $0x40, s26, s23, $0xb8;
	[tilespmem:$0x1C000] =	vst v63  }
.Ltmp0:
0x8a: {  	_ = 	snop;
	(pc) =	sbr.rel @p0 .LBB2_2-.Ltmp0, $4  }
0x8b: {  	_ =	swait.ge [sflag:s10], $0x4000  }
0x8c: {  	[sflag:s10] =	ssyncset.done $0x0  }
0x8d: {  	[sflag:s10] =	ssyncadd.s32 $0xFFFFC000  }
0x8e: {  	[spmem:s3] =	stream.indirect.scatter.add.f32 [tilespmem:s30], [sflag:$0x4], $0x40, s11, s23, $0xb8;
	[tilespmem:$0x1C000] =	vst v63  }
0x8f: {  	[spmem:s3] =	stream.indirect.scatter.add.f32 [tilespmem:s2], [sflag:$0x4], $0x40, s12, s23, $0xb8;
	[tilespmem:$0x1C000] =	vst v63  }
0x90: {  	_ =	swait.ge [sflag:s13], $0x4000  }
0x91: {  	[sflag:s13] =	ssyncset.done $0x0  }
0x92: {  	s6 =	rddreg [dreg:$0xf];
	[sflag:s13] =	ssyncadd.s32 $0xFFFFC000  }
0x93: {  	[tilespmem:s29], [sflag:$0x5] =	stream.linear.gather [hbm4b:s6+s5], $0x200, $0x38;
	[tilespmem:$0x1C000] =	vst v63  }
0x94: {  	_ =	swait.ge [sflag:s22], $0x200  }
0x95: {  	[sflag:s22] =	ssyncset.done $0x0  }
0x96: {  	[sflag:s22] =	ssyncadd.s32 $0xFFFFFE00  }
0x97: {  	[tilespmem:s30], [sflag:$0x2] =	stream.indirect.gather [hbm4b:s1+s23], $0x40, s29, s23, $0xb8;
	[tilespmem:$0x1C000] =	vst v63  }
0x98: {  	_ = 	snop  }
0x99: {  	[tilespmem:s2], [sflag:$0x2] =	stream.indirect.gather [hbm4b:s1+s23], $0x40, s31, s23, $0xb8;
	[tilespmem:$0x1C000] =	vst v63  }
0x9a: {  	_ =	swait.ge [sflag:s0], $0x4000  }
0x9b: {  	[sflag:s0] =	ssyncset.done $0x0  }
0x9c: {  	[sflag:s0] =	ssyncadd.s32 $0xFFFFC000  }
0x9d: {  	[spmem:s3] =	stream.indirect.scatter.add.f32 [tilespmem:s24], [sflag:$0x3], $0x40, s7, s23, $0xb8;
	[tilespmem:$0x1C000] =	vst v63  }
0x9e: {  	_ = 	snop  }
0x9f: {  	[spmem:s3] =	stream.indirect.scatter.add.f32 [tilespmem:s28], [sflag:$0x3], $0x40, s8, s23, $0xb8;
	[tilespmem:$0x1C000] =	vst v63  }
0xa0: {  	_ =	swait.ge [sflag:s9], $0x4000  }
0xa1: {  	[sflag:s9] =	ssyncset.done $0x0  }
0xa2: {  	[sflag:s9] =	ssyncadd.s32 $0xFFFFC000  }
0xa3: {  	_ =	swait.ge [sflag:s10], $0x4000  }
0xa4: {  	[sflag:s10] =	ssyncset.done $0x0  }
0xa5: {  	[sflag:s10] =	ssyncadd.s32 $0xFFFFC000  }
0xa6: {  	[spmem:s3] =	stream.indirect.scatter.add.f32 [tilespmem:s30], [sflag:$0x4], $0x40, s11, s23, $0xb8;
	[tilespmem:$0x1C000] =	vst v63  }
0xa7: {  	_ = 	snop  }
0xa8: {  	[spmem:s3] =	stream.indirect.scatter.add.f32 [tilespmem:s2], [sflag:$0x4], $0x40, s12, s23, $0xb8;
	[tilespmem:$0x1C000] =	vst v63  }
0xa9: {  	_ =	swait.ge [sflag:s13], $0x4000  }
0xaa: {  	[sflag:s13] =	ssyncset.done $0x0  }
0xab: {  	[sflag:s13] =	ssyncadd.s32 $0xFFFFC000  }
0xac: {  	[bflag:$0x0] =	sbarrier.arrive $0xFFFF  }
0xad: {  	s18 =	rddreg [dreg:$0xa]  }
0xae: {  	[tilespmem:s21], [sflag:$0x5] =	stream.linear.gather [hbm4b:s18+s5], $0x200, $0x38;
	[tilespmem:$0x1C000] =	vst v63  }
0xaf: {  	_ =	swait.ge [sflag:s22], $0x200  }
0xb0: {  	[sflag:s22] =	ssyncset.done $0x0  }
0xb1: {  	[sflag:s22] =	ssyncadd.s32 $0xFFFFFE00  }
0xb2: {  	[tilespmem:s24], [sflag:$0x1] =	stream.indirect.gather [spmem:s3], $0x40, s21, s23, $0xb8;
	[tilespmem:$0x1C000] =	vst v63  }
0xb3: {  	_ = 	snop  }
0xb4: {  	[tilespmem:s28], [sflag:$0x1] =	stream.indirect.gather [spmem:s3], $0x40, s26, s23, $0xb8;
	[tilespmem:$0x1C000] =	vst v63  }
0xb5: {  	s25 =	rddreg [dreg:$0xb]  }
0xb6: {  	[tilespmem:s29], [sflag:$0x5] =	stream.linear.gather [hbm4b:s25+s5], $0x200, $0x38;
	[tilespmem:$0x1C000] =	vst v63  }
0xb7: {  	_ =	swait.ge [sflag:s22], $0x200  }
0xb8: {  	[sflag:s22] =	ssyncset.done $0x0  }
0xb9: {  	[sflag:s22] =	ssyncadd.s32 $0xFFFFFE00  }
0xba: {  	[tilespmem:s30], [sflag:$0x2] =	stream.indirect.gather [spmem:s3], $0x40, s29, s23, $0xb8;
	[tilespmem:$0x1C000] =	vst v63  }
0xbb: {  	_ = 	snop  }
0xbc: {  	[tilespmem:s2], [sflag:$0x2] =	stream.indirect.gather [spmem:s3], $0x40, s31, s23, $0xb8;
	[tilespmem:$0x1C000] =	vst v63  }
0xbd: {  	_ =	swait.ge [sflag:s0], $0x4000  }
0xbe: {  	[sflag:s0] =	ssyncset.done $0x0  }
0xbf: {  	[sflag:s0] =	ssyncadd.s32 $0xFFFFC000  }
0xc0: {  	[spmem:s4] =	stream.indirect.scatter.add.f32 [tilespmem:s24], [sflag:$0x3], $0x40, s7, s23, $0xb8;
	[tilespmem:$0x1C000] =	vst v63  }
0xc1: {  	_ = 	snop  }
0xc2: {  	[spmem:s4] =	stream.indirect.scatter.add.f32 [tilespmem:s28], [sflag:$0x3], $0x40, s8, s23, $0xb8;
	[tilespmem:$0x1C000] =	vst v63  }
0xc3: {  	_ =	swait.ge [sflag:s9], $0x4000  }
0xc4: {  	[sflag:s9] =	ssyncset.done $0x0  }
0xc5: {  	s18 =	rddreg [dreg:$0xc];
	[sflag:s9] =	ssyncadd.s32 $0xFFFFC000  }
0xc6: {  	[tilespmem:s21], [sflag:$0x5] =	stream.linear.gather [hbm4b:s18+s5], $0x200, $0x38;
	[tilespmem:$0x1C000] =	vst v63  }
0xc7: {  	_ =	swait.ge [sflag:s22], $0x200  }
0xc8: {  	[sflag:s22] =	ssyncset.done $0x0  }
0xc9: {  	[sflag:s22] =	ssyncadd.s32 $0xFFFFFE00  }
0xca: {  	[tilespmem:s24], [sflag:$0x1] =	stream.indirect.gather [spmem:s3], $0x40, s21, s23, $0xb8;
	[tilespmem:$0x1C000] =	vst v63  }
0xcb: {  	_ = 	snop  }
0xcc: {  	[tilespmem:s28], [sflag:$0x1] =	stream.indirect.gather [spmem:s3], $0x40, s26, s23, $0xb8;
	[tilespmem:$0x1C000] =	vst v63  }
0xcd: {  	_ =	swait.ge [sflag:s10], $0x4000  }
0xce: {  	[sflag:s10] =	ssyncset.done $0x0  }
0xcf: {  	[sflag:s10] =	ssyncadd.s32 $0xFFFFC000  }
0xd0: {  	[spmem:s4] =	stream.indirect.scatter.add.f32 [tilespmem:s30], [sflag:$0x4], $0x40, s11, s23, $0xb8;
	[tilespmem:$0x1C000] =	vst v63  }
0xd1: {  	_ = 	snop  }
0xd2: {  	[spmem:s4] =	stream.indirect.scatter.add.f32 [tilespmem:s2], [sflag:$0x4], $0x40, s12, s23, $0xb8;
	[tilespmem:$0x1C000] =	vst v63  }
0xd3: {  	_ =	swait.ge [sflag:s13], $0x4000  }
0xd4: {  	s25 =	sadd.s32 $0xFFFFED00, s17;
	[sflag:s13] =	ssyncset.done $0x0  }
0xd5: {  	s18 =	sadd.s32 $0x13C0, s25;
	[sflag:s13] =	ssyncadd.s32 $0xFFFFC000  }
0xd6: {  	[tilespmem:s29], [sflag:$0x5] =	stream.linear.gather [hbm4b:s18+s5], $0x200, $0x38;
	[tilespmem:$0x1C000] =	vst v63  }
0xd7: {  	_ =	swait.ge [sflag:s22], $0x200  }
0xd8: {  	[sflag:s22] =	ssyncset.done $0x0  }
0xd9: {  	[sflag:s22] =	ssyncadd.s32 $0xFFFFFE00  }
0xda: {  	[tilespmem:s30], [sflag:$0x2] =	stream.indirect.gather [spmem:s3], $0x40, s29, s23, $0xb8;
	[tilespmem:$0x1C000] =	vst v63  }
0xdb: {  	_ = 	snop  }
0xdc: {  	[tilespmem:s2], [sflag:$0x2] =	stream.indirect.gather [spmem:s3], $0x40, s31, s23, $0xb8;
	[tilespmem:$0x1C000] =	vst v63  }
0xdd: {  	_ =	swait.ge [sflag:s0], $0x4000  }
0xde: {  	[sflag:s0] =	ssyncset.done $0x0  }
0xdf: {  	[sflag:s0] =	ssyncadd.s32 $0xFFFFC000  }
0xe0: {  	[spmem:s4] =	stream.indirect.scatter.add.f32 [tilespmem:s24], [sflag:$0x3], $0x40, s7, s23, $0xb8;
	[tilespmem:$0x1C000] =	vst v63  }
0xe1: {  	_ = 	snop  }
0xe2: {  	[spmem:s4] =	stream.indirect.scatter.add.f32 [tilespmem:s28], [sflag:$0x3], $0x40, s8, s23, $0xb8;
	[tilespmem:$0x1C000] =	vst v63  }
0xe3: {  	_ =	swait.ge [sflag:s9], $0x4000  }
0xe4: {  	[sflag:s9] =	ssyncset.done $0x0  }
0xe5: {  	s6 =	sadd.s32 $0x1400, s25;
	[sflag:s9] =	ssyncadd.s32 $0xFFFFC000  }
0xe6: {  	[tilespmem:s21], [sflag:$0x5] =	stream.linear.gather [hbm4b:s6+s5], $0x200, $0x38;
	[tilespmem:$0x1C000] =	vst v63  }
0xe7: {  	_ =	swait.ge [sflag:s22], $0x200  }
0xe8: {  	[sflag:s22] =	ssyncset.done $0x0  }
0xe9: {  	[sflag:s22] =	ssyncadd.s32 $0xFFFFFE00  }
0xea: {  	[tilespmem:s24], [sflag:$0x1] =	stream.indirect.gather [spmem:s3], $0x40, s21, s23, $0xb8;
	[tilespmem:$0x1C000] =	vst v63  }
0xeb: {  	_ = 	snop  }
0xec: {  	[tilespmem:s28], [sflag:$0x1] =	stream.indirect.gather [spmem:s3], $0x40, s26, s23, $0xb8;
	[tilespmem:$0x1C000] =	vst v63  }
0xed: {  	_ =	swait.ge [sflag:s10], $0x4000  }
0xee: {  	[sflag:s10] =	ssyncset.done $0x0  }
0xef: {  	s18 =	simm.s32 $0xFFFFED80;
	[sflag:s10] =	ssyncadd.s32 $0xFFFFC000  }
0xf0: {  	[spmem:s4] =	stream.indirect.scatter.add.f32 [tilespmem:s30], [sflag:$0x4], $0x40, s11, s23, $0xb8;
	[tilespmem:$0x1C000] =	vst v63  }
.LBB2_4:
0xf1: {  	[spmem:s4] =	stream.indirect.scatter.add.f32 [tilespmem:s2], [sflag:$0x4], $0x40, s12, s23, $0xb8;
	[tilespmem:$0x1C000] =	vst v63  }
0xf2: {  	s6 =	smov.u32 s18  }
0xf3: {  	p0 =	sne.s32 s18, $0xFFFFFF80;
	s18 =	sadd.s32 $0x80, s18;
	_ =	swait.ge [sflag:s13], $0x4000  }
0xf4: {  	s6 =	sadd.s32 s6, s17;
	[sflag:s13] =	ssyncset.done $0x0  }
0xf5: {  	s25 =	sadd.s32 $0x13C0, s6;
	[sflag:s13] =	ssyncadd.s32 $0xFFFFC000  }
0xf6: {  	[tilespmem:s29], [sflag:$0x5] =	stream.linear.gather [hbm4b:s25+s5], $0x200, $0x38;
	[tilespmem:$0x1C000] =	vst v63  }
0xf7: {  	_ =	swait.ge [sflag:s22], $0x200  }
0xf8: {  	[sflag:s22] =	ssyncset.done $0x0  }
0xf9: {  	[sflag:s22] =	ssyncadd.s32 $0xFFFFFE00  }
0xfa: {  	[tilespmem:s30], [sflag:$0x2] =	stream.indirect.gather [spmem:s3], $0x40, s29, s23, $0xb8;
	[tilespmem:$0x1C000] =	vst v63  }
0xfb: {  	_ = 	snop  }
0xfc: {  	[tilespmem:s2], [sflag:$0x2] =	stream.indirect.gather [spmem:s3], $0x40, s31, s23, $0xb8;
	[tilespmem:$0x1C000] =	vst v63  }
0xfd: {  	_ =	swait.ge [sflag:s0], $0x4000  }
0xfe: {  	[sflag:s0] =	ssyncset.done $0x0  }
0xff: {  	[sflag:s0] =	ssyncadd.s32 $0xFFFFC000  }
0x100: {  	[spmem:s4] =	stream.indirect.scatter.add.f32 [tilespmem:s24], [sflag:$0x3], $0x40, s7, s23, $0xb8;
	[tilespmem:$0x1C000] =	vst v63  }
0x101: {  	_ = 	snop  }
0x102: {  	[spmem:s4] =	stream.indirect.scatter.add.f32 [tilespmem:s28], [sflag:$0x3], $0x40, s8, s23, $0xb8;
	[tilespmem:$0x1C000] =	vst v63  }
0x103: {  	_ =	swait.ge [sflag:s9], $0x4000  }
0x104: {  	[sflag:s9] =	ssyncset.done $0x0  }
0x105: {  	s6 =	sadd.s32 $0x1400, s6;
	[sflag:s9] =	ssyncadd.s32 $0xFFFFC000  }
0x106: {  	[tilespmem:s21], [sflag:$0x5] =	stream.linear.gather [hbm4b:s6+s5], $0x200, $0x38;
	[tilespmem:$0x1C000] =	vst v63  }
0x107: {  	_ =	swait.ge [sflag:s22], $0x200  }
0x108: {  	[sflag:s22] =	ssyncset.done $0x0  }
0x109: {  	[sflag:s22] =	ssyncadd.s32 $0xFFFFFE00  }
0x10a: {  	[tilespmem:s24], [sflag:$0x1] =	stream.indirect.gather [spmem:s3], $0x40, s21, s23, $0xb8;
	[tilespmem:$0x1C000] =	vst v63  }
0x10b: {  	_ = 	snop  }
0x10c: {  	[tilespmem:s28], [sflag:$0x1] =	stream.indirect.gather [spmem:s3], $0x40, s26, s23, $0xb8;
	[tilespmem:$0x1C000] =	vst v63  }
.Ltmp1:
0x10d: {  	_ = 	snop;
	(pc) =	sbr.rel @p0 .LBB2_4-.Ltmp1, $4  }
0x10e: {  	_ =	swait.ge [sflag:s10], $0x4000  }
0x10f: {  	[sflag:s10] =	ssyncset.done $0x0  }
0x110: {  	[sflag:s10] =	ssyncadd.s32 $0xFFFFC000  }
0x111: {  	[spmem:s4] =	stream.indirect.scatter.add.f32 [tilespmem:s30], [sflag:$0x4], $0x40, s11, s23, $0xb8;
	[tilespmem:$0x1C000] =	vst v63  }
0x112: {  	[spmem:s4] =	stream.indirect.scatter.add.f32 [tilespmem:s2], [sflag:$0x4], $0x40, s12, s23, $0xb8;
	[tilespmem:$0x1C000] =	vst v63  }
0x113: {  	_ =	swait.ge [sflag:s13], $0x4000  }
0x114: {  	[sflag:s13] =	ssyncset.done $0x0  }
0x115: {  	s6 =	rddreg [dreg:$0x10];
	[sflag:s13] =	ssyncadd.s32 $0xFFFFC000  }
0x116: {  	[tilespmem:s29], [sflag:$0x5] =	stream.linear.gather [hbm4b:s6+s5], $0x200, $0x38;
	[tilespmem:$0x1C000] =	vst v63  }
0x117: {  	_ =	swait.ge [sflag:s22], $0x200  }
0x118: {  	[sflag:s22] =	ssyncset.done $0x0  }
0x119: {  	[sflag:s22] =	ssyncadd.s32 $0xFFFFFE00  }
0x11a: {  	[tilespmem:s30], [sflag:$0x2] =	stream.indirect.gather [spmem:s3], $0x40, s29, s23, $0xb8;
	[tilespmem:$0x1C000] =	vst v63  }
0x11b: {  	_ = 	snop  }
0x11c: {  	[tilespmem:s2], [sflag:$0x2] =	stream.indirect.gather [spmem:s3], $0x40, s31, s23, $0xb8;
	[tilespmem:$0x1C000] =	vst v63  }
0x11d: {  	_ =	swait.ge [sflag:s0], $0x4000  }
0x11e: {  	[sflag:s0] =	ssyncset.done $0x0  }
0x11f: {  	[sflag:s0] =	ssyncadd.s32 $0xFFFFC000  }
0x120: {  	[spmem:s4] =	stream.indirect.scatter.add.f32 [tilespmem:s24], [sflag:$0x3], $0x40, s7, s23, $0xb8;
	[tilespmem:$0x1C000] =	vst v63  }
0x121: {  	_ = 	snop  }
0x122: {  	[spmem:s4] =	stream.indirect.scatter.add.f32 [tilespmem:s28], [sflag:$0x3], $0x40, s8, s23, $0xb8;
	[tilespmem:$0x1C000] =	vst v63  }
0x123: {  	_ =	swait.ge [sflag:s9], $0x4000  }
0x124: {  	[sflag:s9] =	ssyncset.done $0x0  }
0x125: {  	[sflag:s9] =	ssyncadd.s32 $0xFFFFC000  }
0x126: {  	_ =	swait.ge [sflag:s10], $0x4000  }
0x127: {  	[sflag:s10] =	ssyncset.done $0x0  }
0x128: {  	[sflag:s10] =	ssyncadd.s32 $0xFFFFC000  }
0x129: {  	[spmem:s4] =	stream.indirect.scatter.add.f32 [tilespmem:s30], [sflag:$0x4], $0x40, s11, s23, $0xb8;
	[tilespmem:$0x1C000] =	vst v63  }
0x12a: {  	_ = 	snop  }
0x12b: {  	[spmem:s4] =	stream.indirect.scatter.add.f32 [tilespmem:s2], [sflag:$0x4], $0x40, s12, s23, $0xb8;
	[tilespmem:$0x1C000] =	vst v63  }
0x12c: {  	_ =	swait.ge [sflag:s13], $0x4000  }
0x12d: {  	[sflag:s13] =	ssyncset.done $0x0  }
0x12e: {  	[sflag:s13] =	ssyncadd.s32 $0xFFFFC000  }
0x12f: {  	[bflag:$0x0] =	sbarrier.arrive $0xFFFF  }
0x130: {  	s18 =	rddreg [dreg:$0xd]  }
0x131: {  	[hbm:s18], [sflag:s15] =	dma.local [spmem:s16], $0x13C0  }
0x132: {  	_ =	swait.ge [sflag:s22], $0x13C0  }
0x133: {  	s14 =	sadd.s32 $0x1, s14;
	s25 =	rddreg [dreg:$0xe]  }
0x134: {  	p0 =	sne.s32 s14, s25  }
.Ltmp2:
0x135: {  	_ = 	snop;
	(pc) =	sbr.rel @p0 .LBB2_1-.Ltmp2, $3  }
0x136: {  	_ =	sdelay $0x1  }
0x137: {  	[sflag:s22] =	ssyncset.done $0x0  }
0x138: {  	[sflag:s22] =	ssyncadd.s32 $0xFFFFEC40  }
0x139: {  	_ =	sfence.sel $0x180000  }
0x13a: {  	[bflag:$0x0] =	sbarrier.arrive $0xFFFF  }
0x13b: {  	_ =	strace $0x90000047  }
0x13c: {  	s0 =	stileid.u32;
	[bflag:$0x2] =	sbarrier.arrive $0xFFFF  }
0x13d: {  	p0 =	sne.s32 s0, $0x0;
	s0 =	rddreg [dreg:$0x4]  }
0x13e: {  	s0 =	sadd.s32 @!p0 $0x100000, s0  }
0x13f: {  	[sflag:s0] =	ssyncadd.tile.s32 @!p0 $0x1;
	_ =	shalt  }
.Lfunc_end2:
_tile_overlayer_lowered:
.L_overlay_start_2:
0x140: {  	(tag) =	ssettag $0x2  }
0x141: {  	s0 =	rddreg [dreg:$0x0];
	s2 =	stileid.u32  }
0x142: {  	s1 =	rddreg [dreg:$0x1];
	p0 =	sne.s32 s2, $0x0  }
0x143: {  	s3 =	rddreg [dreg:$0x2];
	[bflag:$0x3] =	sbarrier.arrive $0xFFFF;
	s2 =	simm.s32 @!p0 $0x1C05  }
0x144: {  	[timem:s3], [sflag:s2] =	dma.local @!p0 [hbm:s0], s1  }
0x145: {  	s0 =	simm.s32 @!p0 $0x5  }
0x146: {  	_ =	swait.ge @!p0 [sflag:s0], s1  }
0x147: {  	s1 =	ssub.s32 @!p0 $0x0, s1;
	[sflag:s0] =	ssyncset.done @!p0 $0x0  }
0x148: {  	[sflag:s0] =	ssyncadd.s32 @!p0 s1  }
0x149: {  	[bflag:$0x3] =	sbarrier.arrive $0xFFFF  }
0x14a: {  	_ =	shalt  }

</sc_bundles>
